<compile_context>
chip_gen: v7x
topology: tpu7x:2x2x1
jax: 0.10.2.dev20260603
libtpu: 0.0.44.dev20260713+nightly
codegen_flags: <defaults>
</compile_context>

<pallas_src>
import functools
import jax
import jax.numpy as jnp
from jax import lax
from jax.experimental import pallas as pl
from jax.experimental.pallas import tpu as pltpu
from jax.experimental.pallas import tpu_sc as plsc

N = 10000
D = 256
H = 128
E = 160000
EPS = 1e-7

NS = 16
CHUNK = 64
NCHUNK = 160
NBUF = 4
NROUND = NCHUNK // (2 * NBUF)
E_PAD = NS * NCHUNK * CHUNK
TRASH = N
NPAD = 10112
RPW = NPAD // NS

ROW_BLK = 2000
CMB_BLK = 2000


def _logmap_body(x_ref, h0_ref, h1_ref):
    x = x_ref[...]
    nrm = jnp.sqrt(jnp.sum(x * x, axis=1, keepdims=True))
    nrm = jnp.maximum(nrm, EPS)
    y = jnp.minimum(nrm, 1.0 - 1e-5)
    scale = 0.5 * jnp.log((1.0 + y) / (1.0 - y)) / nrm
    xt = x * scale
    h0_ref[...] = xt[:, :H].astype(jnp.bfloat16)
    h1_ref[...] = xt[:, H:].astype(jnp.bfloat16)


_H_SPEC = pl.BlockSpec((ROW_BLK, H), lambda i: (i, 0))
_H_SHAPE = jax.ShapeDtypeStruct((N, H), jnp.bfloat16)

_logmap = pl.pallas_call(
    _logmap_body,
    grid=(N // ROW_BLK,),
    in_specs=[pl.BlockSpec((ROW_BLK, D), lambda i: (i, 0))],
    out_specs=[_H_SPEC, _H_SPEC],
    out_shape=[_H_SHAPE, _H_SHAPE],
)


@functools.partial(
    pl.kernel,
    mesh=plsc.VectorSubcoreMesh(core_axis_name="c", subcore_axis_name="s"),
    compiler_params=pltpu.CompilerParams(use_tc_tiling_on_sc=False),
    out_type=[
        jax.ShapeDtypeStruct((NPAD, H), jnp.bfloat16),
        jax.ShapeDtypeStruct((NPAD, H), jnp.bfloat16),
        jax.ShapeDtypeStruct((NPAD, 16), jnp.float32),
        jax.ShapeDtypeStruct((NPAD, 16), jnp.float32),
    ],
    scratch_types=[
        pltpu.VMEM((NCHUNK, CHUNK), jnp.int32),
        pltpu.VMEM((NCHUNK, CHUNK), jnp.int32),
        pltpu.VMEM((CHUNK, H), jnp.bfloat16),
        pltpu.VMEM((CHUNK, H), jnp.bfloat16),
        pltpu.VMEM((CHUNK, H), jnp.bfloat16),
        pltpu.VMEM((CHUNK, H), jnp.bfloat16),
        pltpu.VMEM((CHUNK, H), jnp.bfloat16),
        pltpu.VMEM((CHUNK, H), jnp.bfloat16),
        pltpu.VMEM((CHUNK, H), jnp.bfloat16),
        pltpu.VMEM((CHUNK, H), jnp.bfloat16),
        pltpu.VMEM((CHUNK, 16), jnp.float32),
        pltpu.VMEM_SHARED((NPAD, H), jnp.bfloat16),
        pltpu.VMEM_SHARED((NPAD, 16), jnp.float32),
    ] + [pltpu.SemaphoreType.DMA] * 17,
)
def _sc_agg(xh0_hbm, xh1_hbm, src_hbm, dst_hbm,
            zrow_hbm, zdeg_hbm, ones_hbm,
            agg0_hbm, agg1_hbm, dega_hbm, degb_hbm,
            src_v, dst_v, a0, a1, a2, a3, b0, b1, b2, b3, ones_v,
            acc_sh, deg_sh,
            ga0, ga1, ga2, ga3, gb0, gb1, gb2, gb3,
            sa0, sa1, sa2, sa3, sb0, sb1, sb2, sb3, dsem):
    c = lax.axis_index("c")
    s = lax.axis_index("s")
    rows = pl.ds(s * RPW, RPW)
    bufs = [[a0, a1, a2, a3], [b0, b1, b2, b3]]
    gsems = [[ga0, ga1, ga2, ga3], [gb0, gb1, gb2, gb3]]
    ssems = [[sa0, sa1, sa2, sa3], [sb0, sb1, sb2, sb3]]

    pltpu.sync_copy(ones_hbm, ones_v)
    pltpu.sync_copy(src_hbm.at[s], src_v)
    pltpu.sync_copy(dst_hbm.at[s], dst_v)

    def one_pass(xq_hbm, agg_hbm, deg_half, deg_hbm):
        pltpu.sync_copy(zrow_hbm, acc_sh.at[rows])
        pltpu.sync_copy(zdeg_hbm, deg_sh.at[rows])
        plsc.subcore_barrier()

        hdma = xq_hbm.at[pl.ds(0, CHUNK)]

        for h in range(2):
            for b in range(NBUF):
                pltpu.async_copy(
                    xq_hbm.at[src_v.at[h * NBUF + b]], bufs[h][b],
                    gsems[h][b])

        def scat_half(t, h, base):
            for b in range(NBUF):
                pltpu.make_async_copy(hdma, bufs[h][b], gsems[h][b]).wait()
                pltpu.async_copy(
                    bufs[h][b], acc_sh.at[dst_v.at[base + b]], ssems[h][b],
                    add=True)

            @pl.when(deg_half(t))
            def _():
                for b in range(NBUF):
                    pltpu.async_copy(
                        ones_v, deg_sh.at[dst_v.at[base + b]], dsem,
                        add=True)

        def refill_half(t, h, base):
            for b in range(NBUF):
                pltpu.make_async_copy(hdma, bufs[h][b], ssems[h][b]).wait()

                @pl.when(t < NROUND - 1)
                def _(h=h, b=b, base=base):
                    pltpu.async_copy(
                        xq_hbm.at[src_v.at[base + b]], bufs[h][b],
                        gsems[h][b])

        def rnd(t, carry):
            base = t * 2 * NBUF
            scat_half(t, 0, base)
            scat_half(t, 1, base + NBUF)
            refill_half(t, 0, base + 2 * NBUF)
            refill_half(t, 1, base + 3 * NBUF)

            @pl.when(deg_half(t))
            def _():
                for _b in range(2 * NBUF):
                    pltpu.make_async_copy(ones_hbm, ones_v, dsem).wait()
            return carry

        lax.fori_loop(0, NROUND, rnd, 0)
        plsc.subcore_barrier()
        pltpu.sync_copy(acc_sh.at[rows], agg_hbm.at[rows])
        pltpu.sync_copy(deg_sh.at[rows], deg_hbm.at[rows])

    @pl.when(c == 0)
    def _():
        one_pass(xh0_hbm, agg0_hbm, lambda t: t < NROUND // 2, dega_hbm)

    @pl.when(c == 1)
    def _():
        one_pass(xh1_hbm, agg1_hbm, lambda t: t >= NROUND // 2, degb_hbm)


def _combine_body(x0_ref, x1_ref, a0_ref, a1_ref, dega_ref, degb_ref,
                  ws_ref, wn_ref, b_ref, o_ref):
    deg = dega_ref[:, 0:1] + degb_ref[:, 0:1]
    inv = 1.0 / jnp.maximum(deg, 1.0)
    xt = jnp.concatenate(
        [x0_ref[...], x1_ref[...]], axis=1).astype(jnp.float32)
    ag = jnp.concatenate(
        [a0_ref[...], a1_ref[...]], axis=1).astype(jnp.float32)
    dn = (((1,), (1,)), ((), ()))
    h = (lax.dot_general(xt, ws_ref[...], dn,
                         preferred_element_type=jnp.float32)
         + lax.dot_general(ag * inv, wn_ref[...], dn,
                           preferred_element_type=jnp.float32)
         + b_ref[...])
    nrm = jnp.sqrt(jnp.sum(h * h, axis=1, keepdims=True))
    nrm = jnp.maximum(nrm, EPS)
    o_ref[...] = jnp.tanh(nrm) * h / nrm


_CH_SPEC = pl.BlockSpec((CMB_BLK, H), lambda i: (i, 0))
_W_SPEC = pl.BlockSpec((D, D), lambda i: (0, 0))
_DEG_SPEC = pl.BlockSpec((CMB_BLK, 16), lambda i: (i, 0))

_combine = pl.pallas_call(
    _combine_body,
    grid=(N // CMB_BLK,),
    compiler_params=pltpu.CompilerParams(vmem_limit_bytes=100 * 1024 * 1024),
    in_specs=[
        _CH_SPEC, _CH_SPEC,
        _CH_SPEC, _CH_SPEC,
        _DEG_SPEC, _DEG_SPEC,
        _W_SPEC, _W_SPEC,
        pl.BlockSpec((1, D), lambda i: (0, 0)),
    ],
    out_specs=pl.BlockSpec((CMB_BLK, D), lambda i: (i, 0)),
    out_shape=jax.ShapeDtypeStruct((N, D), jnp.float32),
)


def kernel(x, edge_index, W_self, b_self, W_neigh, b_neigh):
    src = edge_index[0].astype(jnp.int32)
    dst = edge_index[1].astype(jnp.int32)
    pad = E_PAD - E
    src2 = jnp.concatenate([src, jnp.zeros((pad,), jnp.int32)]).reshape(
        NS, NCHUNK, CHUNK)
    dst2 = jnp.concatenate([dst, jnp.full((pad,), TRASH, jnp.int32)]).reshape(
        NS, NCHUNK, CHUNK)

    xh0, xh1 = _logmap(x)

    zrow = jnp.zeros((RPW, H), jnp.bfloat16)
    zdeg = jnp.zeros((RPW, 16), jnp.float32)
    ones = jnp.ones((CHUNK, 16), jnp.float32)
    a0, a1, dega, degb = _sc_agg(xh0, xh1, src2, dst2, zrow, zdeg, ones)

    bias = (b_self + b_neigh).reshape(1, D)
    return _combine(xh0, xh1, a0, a1, dega, degb, W_self, W_neigh, bias)

# --- scband reference (transcript-rebuilt; emitter-appended) ---
"""Pipeline reference for scband-hyperbolic-sageconv-50792283242939 (READ-ONLY COPY).

The authoritative reference and input builder live on the scoring server;
editing this copy changes nothing except your own understanding.
"""

import jax, jax.numpy as jnp
import numpy as np

N_NODES = 10000
D_IN = 256
D_OUT = 256
N_EDGES = 160000
C = 1.0
EPS = 1e-7


def _artanh(x):
    x = jnp.clip(x, -1.0 + 1e-5, 1.0 - 1e-5)
    return jnp.arctanh(x)


def logmap0(x, c=C):
    sqrt_c = jnp.sqrt(c)
    norm = jnp.clip(jnp.linalg.norm(x, axis=-1, keepdims=True), EPS, None)
    return _artanh(sqrt_c * norm) * x / (sqrt_c * norm)


def expmap0(v, c=C):
    sqrt_c = jnp.sqrt(c)
    norm = jnp.clip(jnp.linalg.norm(v, axis=-1, keepdims=True), EPS, None)
    return jnp.tanh(sqrt_c * norm) * v / (sqrt_c * norm)


def setup_inputs(seed: int = 0) -> dict:
    key = jax.random.key(seed)
    k_x, k_e, k_ws, k_bs, k_wn, k_bn = jax.random.split(key, 6)
    # Hyperbolic points must lie inside the Poincare ball (norm < 1/sqrt(c)).
    v = jax.random.normal(k_x, (N_NODES, D_IN), dtype=jnp.float32)
    nrm = jnp.linalg.norm(v, axis=-1, keepdims=True)
    x = v * (0.7 / (1.0 + nrm))
    edge_index = jax.random.randint(k_e, (2, N_EDGES), 0, N_NODES, dtype=jnp.int64 if jax.config.jax_enable_x64 else jnp.int32)
    s = 1.0 / np.sqrt(D_IN)
    W_self = jax.random.uniform(k_ws, (D_OUT, D_IN), dtype=jnp.float32, minval=-s, maxval=s)
    b_self = jax.random.uniform(k_bs, (D_OUT,), dtype=jnp.float32, minval=-s, maxval=s)
    W_neigh = jax.random.uniform(k_wn, (D_OUT, D_IN), dtype=jnp.float32, minval=-s, maxval=s)
    b_neigh = jax.random.uniform(k_bn, (D_OUT,), dtype=jnp.float32, minval=-s, maxval=s)
    return {"x": x, "edge_index": edge_index, "W_self": W_self, "b_self": b_self, "W_neigh": W_neigh, "b_neigh": b_neigh}


def reference(x, edge_index, W_self, b_self, W_neigh, b_neigh):
    num_nodes = x.shape[0]
    x_tangent = logmap0(x)
    h_self = x_tangent @ W_self.T + b_self
    src = edge_index[0]
    dst = edge_index[1]
    degrees = jnp.zeros((num_nodes,), dtype=jnp.float32).at[dst].add(jnp.ones_like(src, dtype=jnp.float32))
    degrees = jnp.clip(degrees, 1.0, None)
    h_neigh = jnp.zeros_like(x_tangent).at[dst].add(x_tangent[src])
    h_neigh = h_neigh / degrees[:, None]
    h_neigh = h_neigh @ W_neigh.T + b_neigh
    h_combined = h_self + h_neigh
    return expmap0(h_combined)

if __name__ == "__main__":
    import jax
    _d = setup_inputs()
    print(jax.jit(kernel)(*tuple(_d.values())))

</pallas_src>

<mosaic_0001>
#map = affine_map<(d0, d1) -> (0, 0)>
#map1 = affine_map<(d0, d1) -> (0, 0, 0)>
module attributes {stable_mosaic.version = 14 : i64} {
  func.func @_sc_agg(%arg0: i32, %arg1: i32, %arg2: memref<10000x128xbf16, #tpu.memory_space<hbm>>, %arg3: memref<10000x128xbf16, #tpu.memory_space<hbm>>, %arg4: memref<16x160x64xi32, #tpu.memory_space<hbm>>, %arg5: memref<16x160x64xi32, #tpu.memory_space<hbm>>, %arg6: memref<632x128xbf16, #tpu.memory_space<hbm>>, %arg7: memref<632x16xf32, #tpu.memory_space<hbm>>, %arg8: memref<64x16xf32, #tpu.memory_space<hbm>>, %arg9: memref<10112x128xbf16, #tpu.memory_space<hbm>>, %arg10: memref<10112x128xbf16, #tpu.memory_space<hbm>>, %arg11: memref<10112x16xf32, #tpu.memory_space<hbm>>, %arg12: memref<10112x16xf32, #tpu.memory_space<hbm>>, %arg13: memref<160x64xi32, #tpu.memory_space<vmem>>, %arg14: memref<160x64xi32, #tpu.memory_space<vmem>>, %arg15: memref<64x128xbf16, #tpu.memory_space<vmem>>, %arg16: memref<64x128xbf16, #tpu.memory_space<vmem>>, %arg17: memref<64x128xbf16, #tpu.memory_space<vmem>>, %arg18: memref<64x128xbf16, #tpu.memory_space<vmem>>, %arg19: memref<64x128xbf16, #tpu.memory_space<vmem>>, %arg20: memref<64x128xbf16, #tpu.memory_space<vmem>>, %arg21: memref<64x128xbf16, #tpu.memory_space<vmem>>, %arg22: memref<64x128xbf16, #tpu.memory_space<vmem>>, %arg23: memref<64x16xf32, #tpu.memory_space<vmem>>, %arg24: memref<10112x128xbf16, #tpu.memory_space<vmem_shared>>, %arg25: memref<10112x16xf32, #tpu.memory_space<vmem_shared>>, %arg26: memref<!tpu.dma_semaphore, #tpu.memory_space<semaphore_mem>>, %arg27: memref<!tpu.dma_semaphore, #tpu.memory_space<semaphore_mem>>, %arg28: memref<!tpu.dma_semaphore, #tpu.memory_space<semaphore_mem>>, %arg29: memref<!tpu.dma_semaphore, #tpu.memory_space<semaphore_mem>>, %arg30: memref<!tpu.dma_semaphore, #tpu.memory_space<semaphore_mem>>, %arg31: memref<!tpu.dma_semaphore, #tpu.memory_space<semaphore_mem>>, %arg32: memref<!tpu.dma_semaphore, #tpu.memory_space<semaphore_mem>>, %arg33: memref<!tpu.dma_semaphore, #tpu.memory_space<semaphore_mem>>, %arg34: memref<!tpu.dma_semaphore, #tpu.memory_space<semaphore_mem>>, %arg35: memref<!tpu.dma_semaphore, #tpu.memory_space<semaphore_mem>>, %arg36: memref<!tpu.dma_semaphore, #tpu.memory_space<semaphore_mem>>, %arg37: memref<!tpu.dma_semaphore, #tpu.memory_space<semaphore_mem>>, %arg38: memref<!tpu.dma_semaphore, #tpu.memory_space<semaphore_mem>>, %arg39: memref<!tpu.dma_semaphore, #tpu.memory_space<semaphore_mem>>, %arg40: memref<!tpu.dma_semaphore, #tpu.memory_space<semaphore_mem>>, %arg41: memref<!tpu.dma_semaphore, #tpu.memory_space<semaphore_mem>>, %arg42: memref<!tpu.dma_semaphore, #tpu.memory_space<semaphore_mem>>) attributes {dimension_semantics = [#tpu.dimension_semantics<core_parallel>, #tpu.dimension_semantics<subcore_parallel>], iteration_bounds = array<i64: 2, 16>, scalar_prefetch = 0 : i64, scratch_operands = 30 : i64, tpu.core_type = #tpu.core_type<sc_vector_subcore>, window_params = [{transform_indices = #map}, {transform_indices = #map}, {transform_indices = #map1}, {transform_indices = #map1}, {transform_indices = #map}, {transform_indices = #map}, {transform_indices = #map}, {transform_indices = #map}, {transform_indices = #map}, {transform_indices = #map}, {transform_indices = #map}]} {
    %mul3A = arith.constant 632 : i32
    %mul3A_0 = arith.muli %arg1, %mul3A : i32
    "tpu.region"() ({
      %run_scoped3A = tpu.sem_alloc : memref<!tpu.dma_semaphore, #tpu.memory_space<semaphore_mem>>
      tpu.enqueue_dma source(%arg8 : memref<64x16xf32, #tpu.memory_space<hbm>>) target(%arg23 : memref<64x16xf32, #tpu.memory_space<vmem>>) target_semaphore(%run_scoped3A : memref<!tpu.dma_semaphore, #tpu.memory_space<semaphore_mem>>)
      tpu.wait_dma2 semaphore(%run_scoped3A : memref<!tpu.dma_semaphore, #tpu.memory_space<semaphore_mem>>) src(%arg8 : memref<64x16xf32, #tpu.memory_space<hbm>>) dst(%arg23 : memref<64x16xf32, #tpu.memory_space<vmem>>)
      tpu.yield
    }) : () -> ()
    "tpu.region"() ({
      %run_scoped3A = tpu.sem_alloc : memref<!tpu.dma_semaphore, #tpu.memory_space<semaphore_mem>>
      %dma_start3A = arith.constant 0 : i32
      %dma_start3A_8 = arith.constant 0 : i32
      %dma_start3A_9 = tpu.memref_slice %arg4[%arg1, %dma_start3A, %dma_start3A_8] : memref<16x160x64xi32, #tpu.memory_space<hbm>> -> memref<1x160x64xi32, #tpu.memory_space<hbm>>
      %dma_start3A_10 = tpu.memref_squeeze %dma_start3A_9 : memref<1x160x64xi32, #tpu.memory_space<hbm>> -> memref<160x64xi32, #tpu.memory_space<hbm>>
      %dma_start3A_11 = arith.constant 0 : i32
      %dma_start3A_12 = arith.constant 0 : i32
      %dma_start3A_13 = tpu.memref_slice %arg4[%arg1, %dma_start3A_11, %dma_start3A_12] : memref<16x160x64xi32, #tpu.memory_space<hbm>> -> memref<1x160x64xi32, #tpu.memory_space<hbm>>
      %dma_start3A_14 = tpu.memref_squeeze %dma_start3A_13 : memref<1x160x64xi32, #tpu.memory_space<hbm>> -> memref<160x64xi32, #tpu.memory_space<hbm>>
      tpu.enqueue_dma source(%dma_start3A_14 : memref<160x64xi32, #tpu.memory_space<hbm>>) target(%arg13 : memref<160x64xi32, #tpu.memory_space<vmem>>) target_semaphore(%run_scoped3A : memref<!tpu.dma_semaphore, #tpu.memory_space<semaphore_mem>>)
      %dma_wait3A = arith.constant 0 : i32
      %dma_wait3A_15 = arith.constant 0 : i32
      %dma_wait3A_16 = tpu.memref_slice %arg4[%arg1, %dma_wait3A, %dma_wait3A_15] : memref<16x160x64xi32, #tpu.memory_space<hbm>> -> memref<1x160x64xi32, #tpu.memory_space<hbm>>
      %dma_wait3A_17 = tpu.memref_squeeze %dma_wait3A_16 : memref<1x160x64xi32, #tpu.memory_space<hbm>> -> memref<160x64xi32, #tpu.memory_space<hbm>>
      %dma_wait3A_18 = arith.constant 0 : i32
      %dma_wait3A_19 = arith.constant 0 : i32
      %dma_wait3A_20 = tpu.memref_slice %arg4[%arg1, %dma_wait3A_18, %dma_wait3A_19] : memref<16x160x64xi32, #tpu.memory_space<hbm>> -> memref<1x160x64xi32, #tpu.memory_space<hbm>>
      %dma_wait3A_21 = tpu.memref_squeeze %dma_wait3A_20 : memref<1x160x64xi32, #tpu.memory_space<hbm>> -> memref<160x64xi32, #tpu.memory_space<hbm>>
      tpu.wait_dma2 semaphore(%run_scoped3A : memref<!tpu.dma_semaphore, #tpu.memory_space<semaphore_mem>>) src(%dma_wait3A_21 : memref<160x64xi32, #tpu.memory_space<hbm>>) dst(%arg13 : memref<160x64xi32, #tpu.memory_space<vmem>>)
      tpu.yield
    }) : () -> ()
    "tpu.region"() ({
      %run_scoped3A = tpu.sem_alloc : memref<!tpu.dma_semaphore, #tpu.memory_space<semaphore_mem>>
      %dma_start3A = arith.constant 0 : i32
      %dma_start3A_8 = arith.constant 0 : i32
      %dma_start3A_9 = tpu.memref_slice %arg5[%arg1, %dma_start3A, %dma_start3A_8] : memref<16x160x64xi32, #tpu.memory_space<hbm>> -> memref<1x160x64xi32, #tpu.memory_space<hbm>>
      %dma_start3A_10 = tpu.memref_squeeze %dma_start3A_9 : memref<1x160x64xi32, #tpu.memory_space<hbm>> -> memref<160x64xi32, #tpu.memory_space<hbm>>
      %dma_start3A_11 = arith.constant 0 : i32
      %dma_start3A_12 = arith.constant 0 : i32
      %dma_start3A_13 = tpu.memref_slice %arg5[%arg1, %dma_start3A_11, %dma_start3A_12] : memref<16x160x64xi32, #tpu.memory_space<hbm>> -> memref<1x160x64xi32, #tpu.memory_space<hbm>>
      %dma_start3A_14 = tpu.memref_squeeze %dma_start3A_13 : memref<1x160x64xi32, #tpu.memory_space<hbm>> -> memref<160x64xi32, #tpu.memory_space<hbm>>
      tpu.enqueue_dma source(%dma_start3A_14 : memref<160x64xi32, #tpu.memory_space<hbm>>) target(%arg14 : memref<160x64xi32, #tpu.memory_space<vmem>>) target_semaphore(%run_scoped3A : memref<!tpu.dma_semaphore, #tpu.memory_space<semaphore_mem>>)
      %dma_wait3A = arith.constant 0 : i32
      %dma_wait3A_15 = arith.constant 0 : i32
      %dma_wait3A_16 = tpu.memref_slice %arg5[%arg1, %dma_wait3A, %dma_wait3A_15] : memref<16x160x64xi32, #tpu.memory_space<hbm>> -> memref<1x160x64xi32, #tpu.memory_space<hbm>>
      %dma_wait3A_17 = tpu.memref_squeeze %dma_wait3A_16 : memref<1x160x64xi32, #tpu.memory_space<hbm>> -> memref<160x64xi32, #tpu.memory_space<hbm>>
      %dma_wait3A_18 = arith.constant 0 : i32
      %dma_wait3A_19 = arith.constant 0 : i32
      %dma_wait3A_20 = tpu.memref_slice %arg5[%arg1, %dma_wait3A_18, %dma_wait3A_19] : memref<16x160x64xi32, #tpu.memory_space<hbm>> -> memref<1x160x64xi32, #tpu.memory_space<hbm>>
      %dma_wait3A_21 = tpu.memref_squeeze %dma_wait3A_20 : memref<1x160x64xi32, #tpu.memory_space<hbm>> -> memref<160x64xi32, #tpu.memory_space<hbm>>
      tpu.wait_dma2 semaphore(%run_scoped3A : memref<!tpu.dma_semaphore, #tpu.memory_space<semaphore_mem>>) src(%dma_wait3A_21 : memref<160x64xi32, #tpu.memory_space<hbm>>) dst(%arg14 : memref<160x64xi32, #tpu.memory_space<vmem>>)
      tpu.yield
    }) : () -> ()
    %eq3A = arith.constant 0 : i32
    %eq3A_1 = arith.cmpi eq, %arg0, %eq3A : i32
    %convert_element_type3A = arith.extui %eq3A_1 : i1 to i32
    %cond3A = arith.constant 0 : i32
    %cond3A_2 = arith.cmpi ne, %convert_element_type3A, %cond3A : i32
    scf.if %cond3A_2 {
      "tpu.region"() ({
        %run_scoped3A = tpu.sem_alloc : memref<!tpu.dma_semaphore, #tpu.memory_space<semaphore_mem>>
        %dma_start3A_69 = arith.constant 0 : i32
        %dma_start3A_70 = tpu.memref_slice %arg24[%mul3A_0, %dma_start3A_69] : memref<10112x128xbf16, #tpu.memory_space<vmem_shared>> -> memref<632x128xbf16, #tpu.memory_space<vmem_shared>>
        tpu.enqueue_dma source(%arg6 : memref<632x128xbf16, #tpu.memory_space<hbm>>) target(%dma_start3A_70 : memref<632x128xbf16, #tpu.memory_space<vmem_shared>>) target_semaphore(%run_scoped3A : memref<!tpu.dma_semaphore, #tpu.memory_space<semaphore_mem>>)
        %dma_wait3A = arith.constant 0 : i32
        %dma_wait3A_71 = tpu.memref_slice %arg24[%mul3A_0, %dma_wait3A] : memref<10112x128xbf16, #tpu.memory_space<vmem_shared>> -> memref<632x128xbf16, #tpu.memory_space<vmem_shared>>
        tpu.wait_dma2 semaphore(%run_scoped3A : memref<!tpu.dma_semaphore, #tpu.memory_space<semaphore_mem>>) src(%arg6 : memref<632x128xbf16, #tpu.memory_space<hbm>>) dst(%dma_wait3A_71 : memref<632x128xbf16, #tpu.memory_space<vmem_shared>>)
        tpu.yield
      }) : () -> ()
      "tpu.region"() ({
        %run_scoped3A = tpu.sem_alloc : memref<!tpu.dma_semaphore, #tpu.memory_space<semaphore_mem>>
        %dma_start3A_69 = arith.constant 0 : i32
        %dma_start3A_70 = tpu.memref_slice %arg25[%mul3A_0, %dma_start3A_69] : memref<10112x16xf32, #tpu.memory_space<vmem_shared>> -> memref<632x16xf32, #tpu.memory_space<vmem_shared>>
        tpu.enqueue_dma source(%arg7 : memref<632x16xf32, #tpu.memory_space<hbm>>) target(%dma_start3A_70 : memref<632x16xf32, #tpu.memory_space<vmem_shared>>) target_semaphore(%run_scoped3A : memref<!tpu.dma_semaphore, #tpu.memory_space<semaphore_mem>>)
        %dma_wait3A = arith.constant 0 : i32
        %dma_wait3A_71 = tpu.memref_slice %arg25[%mul3A_0, %dma_wait3A] : memref<10112x16xf32, #tpu.memory_space<vmem_shared>> -> memref<632x16xf32, #tpu.memory_space<vmem_shared>>
        tpu.wait_dma2 semaphore(%run_scoped3A : memref<!tpu.dma_semaphore, #tpu.memory_space<semaphore_mem>>) src(%arg7 : memref<632x16xf32, #tpu.memory_space<hbm>>) dst(%dma_wait3A_71 : memref<632x16xf32, #tpu.memory_space<vmem_shared>>)
        tpu.yield
      }) : () -> ()
      %barrier3A = arith.constant 0 : index
      tpu.barrier barrier_id(%barrier3A)
      %dma_start3A = arith.constant 0 : i32
      %dma_start3A_8 = arith.constant 0 : i32
      %dma_start3A_9 = tpu.memref_slice %arg13[%dma_start3A, %dma_start3A_8] : memref<160x64xi32, #tpu.memory_space<vmem>> -> memref<1x64xi32, #tpu.memory_space<vmem>>
      %dma_start3A_10 = tpu.memref_squeeze %dma_start3A_9 : memref<1x64xi32, #tpu.memory_space<vmem>> -> memref<64xi32, #tpu.memory_space<vmem>>
      %dma_start3A_11 = arith.constant 0 : i32
      %dma_start3A_12 = arith.constant 0 : i32
      %dma_start3A_13 = tpu.memref_slice %arg2[%dma_start3A_11, %dma_start3A_12] : memref<10000x128xbf16, #tpu.memory_space<hbm>> -> memref<10000x128xbf16, #tpu.memory_space<hbm>>
      tpu.enqueue_indirect_dma source(%dma_start3A_13 : memref<10000x128xbf16, #tpu.memory_space<hbm>>) target(%arg15 : memref<64x128xbf16, #tpu.memory_space<vmem>>) offsets(%dma_start3A_10 : memref<64xi32, #tpu.memory_space<vmem>>) semaphore(%arg26 : memref<!tpu.dma_semaphore, #tpu.memory_space<semaphore_mem>>)
      %dma_start3A_14 = arith.constant 1 : i32
      %dma_start3A_15 = arith.constant 0 : i32
      %dma_start3A_16 = tpu.memref_slice %arg13[%dma_start3A_14, %dma_start3A_15] : memref<160x64xi32, #tpu.memory_space<vmem>> -> memref<1x64xi32, #tpu.memory_space<vmem>>
      %dma_start3A_17 = tpu.memref_squeeze %dma_start3A_16 : memref<1x64xi32, #tpu.memory_space<vmem>> -> memref<64xi32, #tpu.memory_space<vmem>>
      %dma_start3A_18 = arith.constant 0 : i32
      %dma_start3A_19 = arith.constant 0 : i32
      %dma_start3A_20 = tpu.memref_slice %arg2[%dma_start3A_18, %dma_start3A_19] : memref<10000x128xbf16, #tpu.memory_space<hbm>> -> memref<10000x128xbf16, #tpu.memory_space<hbm>>
      tpu.enqueue_indirect_dma source(%dma_start3A_20 : memref<10000x128xbf16, #tpu.memory_space<hbm>>) target(%arg16 : memref<64x128xbf16, #tpu.memory_space<vmem>>) offsets(%dma_start3A_17 : memref<64xi32, #tpu.memory_space<vmem>>) semaphore(%arg27 : memref<!tpu.dma_semaphore, #tpu.memory_space<semaphore_mem>>)
      %dma_start3A_21 = arith.constant 2 : i32
      %dma_start3A_22 = arith.constant 0 : i32
      %dma_start3A_23 = tpu.memref_slice %arg13[%dma_start3A_21, %dma_start3A_22] : memref<160x64xi32, #tpu.memory_space<vmem>> -> memref<1x64xi32, #tpu.memory_space<vmem>>
      %dma_start3A_24 = tpu.memref_squeeze %dma_start3A_23 : memref<1x64xi32, #tpu.memory_space<vmem>> -> memref<64xi32, #tpu.memory_space<vmem>>
      %dma_start3A_25 = arith.constant 0 : i32
      %dma_start3A_26 = arith.constant 0 : i32
      %dma_start3A_27 = tpu.memref_slice %arg2[%dma_start3A_25, %dma_start3A_26] : memref<10000x128xbf16, #tpu.memory_space<hbm>> -> memref<10000x128xbf16, #tpu.memory_space<hbm>>
      tpu.enqueue_indirect_dma source(%dma_start3A_27 : memref<10000x128xbf16, #tpu.memory_space<hbm>>) target(%arg17 : memref<64x128xbf16, #tpu.memory_space<vmem>>) offsets(%dma_start3A_24 : memref<64xi32, #tpu.memory_space<vmem>>) semaphore(%arg28 : memref<!tpu.dma_semaphore, #tpu.memory_space<semaphore_mem>>)
      %dma_start3A_28 = arith.constant 3 : i32
      %dma_start3A_29 = arith.constant 0 : i32
      %dma_start3A_30 = tpu.memref_slice %arg13[%dma_start3A_28, %dma_start3A_29] : memref<160x64xi32, #tpu.memory_space<vmem>> -> memref<1x64xi32, #tpu.memory_space<vmem>>
      %dma_start3A_31 = tpu.memref_squeeze %dma_start3A_30 : memref<1x64xi32, #tpu.memory_space<vmem>> -> memref<64xi32, #tpu.memory_space<vmem>>
      %dma_start3A_32 = arith.constant 0 : i32
      %dma_start3A_33 = arith.constant 0 : i32
      %dma_start3A_34 = tpu.memref_slice %arg2[%dma_start3A_32, %dma_start3A_33] : memref<10000x128xbf16, #tpu.memory_space<hbm>> -> memref<10000x128xbf16, #tpu.memory_space<hbm>>
      tpu.enqueue_indirect_dma source(%dma_start3A_34 : memref<10000x128xbf16, #tpu.memory_space<hbm>>) target(%arg18 : memref<64x128xbf16, #tpu.memory_space<vmem>>) offsets(%dma_start3A_31 : memref<64xi32, #tpu.memory_space<vmem>>) semaphore(%arg29 : memref<!tpu.dma_semaphore, #tpu.memory_space<semaphore_mem>>)
      %dma_start3A_35 = arith.constant 4 : i32
      %dma_start3A_36 = arith.constant 0 : i32
      %dma_start3A_37 = tpu.memref_slice %arg13[%dma_start3A_35, %dma_start3A_36] : memref<160x64xi32, #tpu.memory_space<vmem>> -> memref<1x64xi32, #tpu.memory_space<vmem>>
      %dma_start3A_38 = tpu.memref_squeeze %dma_start3A_37 : memref<1x64xi32, #tpu.memory_space<vmem>> -> memref<64xi32, #tpu.memory_space<vmem>>
      %dma_start3A_39 = arith.constant 0 : i32
      %dma_start3A_40 = arith.constant 0 : i32
      %dma_start3A_41 = tpu.memref_slice %arg2[%dma_start3A_39, %dma_start3A_40] : memref<10000x128xbf16, #tpu.memory_space<hbm>> -> memref<10000x128xbf16, #tpu.memory_space<hbm>>
      tpu.enqueue_indirect_dma source(%dma_start3A_41 : memref<10000x128xbf16, #tpu.memory_space<hbm>>) target(%arg19 : memref<64x128xbf16, #tpu.memory_space<vmem>>) offsets(%dma_start3A_38 : memref<64xi32, #tpu.memory_space<vmem>>) semaphore(%arg30 : memref<!tpu.dma_semaphore, #tpu.memory_space<semaphore_mem>>)
      %dma_start3A_42 = arith.constant 5 : i32
      %dma_start3A_43 = arith.constant 0 : i32
      %dma_start3A_44 = tpu.memref_slice %arg13[%dma_start3A_42, %dma_start3A_43] : memref<160x64xi32, #tpu.memory_space<vmem>> -> memref<1x64xi32, #tpu.memory_space<vmem>>
      %dma_start3A_45 = tpu.memref_squeeze %dma_start3A_44 : memref<1x64xi32, #tpu.memory_space<vmem>> -> memref<64xi32, #tpu.memory_space<vmem>>
      %dma_start3A_46 = arith.constant 0 : i32
      %dma_start3A_47 = arith.constant 0 : i32
      %dma_start3A_48 = tpu.memref_slice %arg2[%dma_start3A_46, %dma_start3A_47] : memref<10000x128xbf16, #tpu.memory_space<hbm>> -> memref<10000x128xbf16, #tpu.memory_space<hbm>>
      tpu.enqueue_indirect_dma source(%dma_start3A_48 : memref<10000x128xbf16, #tpu.memory_space<hbm>>) target(%arg20 : memref<64x128xbf16, #tpu.memory_space<vmem>>) offsets(%dma_start3A_45 : memref<64xi32, #tpu.memory_space<vmem>>) semaphore(%arg31 : memref<!tpu.dma_semaphore, #tpu.memory_space<semaphore_mem>>)
      %dma_start3A_49 = arith.constant 6 : i32
      %dma_start3A_50 = arith.constant 0 : i32
      %dma_start3A_51 = tpu.memref_slice %arg13[%dma_start3A_49, %dma_start3A_50] : memref<160x64xi32, #tpu.memory_space<vmem>> -> memref<1x64xi32, #tpu.memory_space<vmem>>
      %dma_start3A_52 = tpu.memref_squeeze %dma_start3A_51 : memref<1x64xi32, #tpu.memory_space<vmem>> -> memref<64xi32, #tpu.memory_space<vmem>>
      %dma_start3A_53 = arith.constant 0 : i32
      %dma_start3A_54 = arith.constant 0 : i32
      %dma_start3A_55 = tpu.memref_slice %arg2[%dma_start3A_53, %dma_start3A_54] : memref<10000x128xbf16, #tpu.memory_space<hbm>> -> memref<10000x128xbf16, #tpu.memory_space<hbm>>
      tpu.enqueue_indirect_dma source(%dma_start3A_55 : memref<10000x128xbf16, #tpu.memory_space<hbm>>) target(%arg21 : memref<64x128xbf16, #tpu.memory_space<vmem>>) offsets(%dma_start3A_52 : memref<64xi32, #tpu.memory_space<vmem>>) semaphore(%arg32 : memref<!tpu.dma_semaphore, #tpu.memory_space<semaphore_mem>>)
      %dma_start3A_56 = arith.constant 7 : i32
      %dma_start3A_57 = arith.constant 0 : i32
      %dma_start3A_58 = tpu.memref_slice %arg13[%dma_start3A_56, %dma_start3A_57] : memref<160x64xi32, #tpu.memory_space<vmem>> -> memref<1x64xi32, #tpu.memory_space<vmem>>
      %dma_start3A_59 = tpu.memref_squeeze %dma_start3A_58 : memref<1x64xi32, #tpu.memory_space<vmem>> -> memref<64xi32, #tpu.memory_space<vmem>>
      %dma_start3A_60 = arith.constant 0 : i32
      %dma_start3A_61 = arith.constant 0 : i32
      %dma_start3A_62 = tpu.memref_slice %arg2[%dma_start3A_60, %dma_start3A_61] : memref<10000x128xbf16, #tpu.memory_space<hbm>> -> memref<10000x128xbf16, #tpu.memory_space<hbm>>
      tpu.enqueue_indirect_dma source(%dma_start3A_62 : memref<10000x128xbf16, #tpu.memory_space<hbm>>) target(%arg22 : memref<64x128xbf16, #tpu.memory_space<vmem>>) offsets(%dma_start3A_59 : memref<64xi32, #tpu.memory_space<vmem>>) semaphore(%arg33 : memref<!tpu.dma_semaphore, #tpu.memory_space<semaphore_mem>>)
      %scan3A = arith.constant 0 : i32
      %scan3A_63 = arith.constant 0 : i32
      %scan3A_64 = arith.constant 20 : i32
      %scan3A_65 = arith.addi %scan3A_63, %scan3A_64 : i32
      %scan3A_66 = arith.constant 1 : i32
      scf.for %scan3A_69 = %scan3A_63 to %scan3A_65 step %scan3A_66  : i32 {
        %mul3A_70 = arith.constant 2 : i32
        %mul3A_71 = arith.muli %scan3A_69, %mul3A_70 : i32
        %mul3A_72 = arith.constant 4 : i32
        %mul3A_73 = arith.muli %mul3A_71, %mul3A_72 : i32
        %dma_wait3A = arith.constant 0 : i32
        %dma_wait3A_74 = arith.constant 0 : i32
        %dma_wait3A_75 = tpu.memref_slice %arg2[%dma_wait3A, %dma_wait3A_74] : memref<10000x128xbf16, #tpu.memory_space<hbm>> -> memref<64x128xbf16, #tpu.memory_space<hbm>>
        %dma_wait3A_76 = arith.constant 0 : i32
        %dma_wait3A_77 = arith.constant 0 : i32
        %dma_wait3A_78 = tpu.memref_slice %arg2[%dma_wait3A_76, %dma_wait3A_77] : memref<10000x128xbf16, #tpu.memory_space<hbm>> -> memref<64x128xbf16, #tpu.memory_space<hbm>>
        tpu.wait_dma2 semaphore(%arg26 : memref<!tpu.dma_semaphore, #tpu.memory_space<semaphore_mem>>) src(%dma_wait3A_78 : memref<64x128xbf16, #tpu.memory_space<hbm>>) dst(%arg15 : memref<64x128xbf16, #tpu.memory_space<vmem>>)
        %add3A = arith.constant 0 : i32
        %add3A_79 = arith.addi %mul3A_73, %add3A : i32
        %dma_start3A_80 = arith.constant 0 : i32
        %dma_start3A_81 = tpu.memref_slice %arg14[%add3A_79, %dma_start3A_80] : memref<160x64xi32, #tpu.memory_space<vmem>> -> memref<1x64xi32, #tpu.memory_space<vmem>>
        %dma_start3A_82 = tpu.memref_squeeze %dma_start3A_81 : memref<1x64xi32, #tpu.memory_space<vmem>> -> memref<64xi32, #tpu.memory_space<vmem>>
        %dma_start3A_83 = arith.constant 0 : i32
        %dma_start3A_84 = arith.constant 0 : i32
        %dma_start3A_85 = tpu.memref_slice %arg24[%dma_start3A_83, %dma_start3A_84] : memref<10112x128xbf16, #tpu.memory_space<vmem_shared>> -> memref<10112x128xbf16, #tpu.memory_space<vmem_shared>>
        tpu.enqueue_indirect_dma source(%arg15 : memref<64x128xbf16, #tpu.memory_space<vmem>>) target(%dma_start3A_85 : memref<10112x128xbf16, #tpu.memory_space<vmem_shared>>) offsets(%dma_start3A_82 : memref<64xi32, #tpu.memory_space<vmem>>) semaphore(%arg34 : memref<!tpu.dma_semaphore, #tpu.memory_space<semaphore_mem>>) {add = true}
        %dma_wait3A_86 = arith.constant 0 : i32
        %dma_wait3A_87 = arith.constant 0 : i32
        %dma_wait3A_88 = tpu.memref_slice %arg2[%dma_wait3A_86, %dma_wait3A_87] : memref<10000x128xbf16, #tpu.memory_space<hbm>> -> memref<64x128xbf16, #tpu.memory_space<hbm>>
        %dma_wait3A_89 = arith.constant 0 : i32
        %dma_wait3A_90 = arith.constant 0 : i32
        %dma_wait3A_91 = tpu.memref_slice %arg2[%dma_wait3A_89, %dma_wait3A_90] : memref<10000x128xbf16, #tpu.memory_space<hbm>> -> memref<64x128xbf16, #tpu.memory_space<hbm>>
        tpu.wait_dma2 semaphore(%arg27 : memref<!tpu.dma_semaphore, #tpu.memory_space<semaphore_mem>>) src(%dma_wait3A_91 : memref<64x128xbf16, #tpu.memory_space<hbm>>) dst(%arg16 : memref<64x128xbf16, #tpu.memory_space<vmem>>)
        %add3A_92 = arith.constant 1 : i32
        %add3A_93 = arith.addi %mul3A_73, %add3A_92 : i32
        %dma_start3A_94 = arith.constant 0 : i32
        %dma_start3A_95 = tpu.memref_slice %arg14[%add3A_93, %dma_start3A_94] : memref<160x64xi32, #tpu.memory_space<vmem>> -> memref<1x64xi32, #tpu.memory_space<vmem>>
        %dma_start3A_96 = tpu.memref_squeeze %dma_start3A_95 : memref<1x64xi32, #tpu.memory_space<vmem>> -> memref<64xi32, #tpu.memory_space<vmem>>
        %dma_start3A_97 = arith.constant 0 : i32
        %dma_start3A_98 = arith.constant 0 : i32
        %dma_start3A_99 = tpu.memref_slice %arg24[%dma_start3A_97, %dma_start3A_98] : memref<10112x128xbf16, #tpu.memory_space<vmem_shared>> -> memref<10112x128xbf16, #tpu.memory_space<vmem_shared>>
        tpu.enqueue_indirect_dma source(%arg16 : memref<64x128xbf16, #tpu.memory_space<vmem>>) target(%dma_start3A_99 : memref<10112x128xbf16, #tpu.memory_space<vmem_shared>>) offsets(%dma_start3A_96 : memref<64xi32, #tpu.memory_space<vmem>>) semaphore(%arg35 : memref<!tpu.dma_semaphore, #tpu.memory_space<semaphore_mem>>) {add = true}
        %dma_wait3A_100 = arith.constant 0 : i32
        %dma_wait3A_101 = arith.constant 0 : i32
        %dma_wait3A_102 = tpu.memref_slice %arg2[%dma_wait3A_100, %dma_wait3A_101] : memref<10000x128xbf16, #tpu.memory_space<hbm>> -> memref<64x128xbf16, #tpu.memory_space<hbm>>
        %dma_wait3A_103 = arith.constant 0 : i32
        %dma_wait3A_104 = arith.constant 0 : i32
        %dma_wait3A_105 = tpu.memref_slice %arg2[%dma_wait3A_103, %dma_wait3A_104] : memref<10000x128xbf16, #tpu.memory_space<hbm>> -> memref<64x128xbf16, #tpu.memory_space<hbm>>
        tpu.wait_dma2 semaphore(%arg28 : memref<!tpu.dma_semaphore, #tpu.memory_space<semaphore_mem>>) src(%dma_wait3A_105 : memref<64x128xbf16, #tpu.memory_space<hbm>>) dst(%arg17 : memref<64x128xbf16, #tpu.memory_space<vmem>>)
        %add3A_106 = arith.constant 2 : i32
        %add3A_107 = arith.addi %mul3A_73, %add3A_106 : i32
        %dma_start3A_108 = arith.constant 0 : i32
        %dma_start3A_109 = tpu.memref_slice %arg14[%add3A_107, %dma_start3A_108] : memref<160x64xi32, #tpu.memory_space<vmem>> -> memref<1x64xi32, #tpu.memory_space<vmem>>
        %dma_start3A_110 = tpu.memref_squeeze %dma_start3A_109 : memref<1x64xi32, #tpu.memory_space<vmem>> -> memref<64xi32, #tpu.memory_space<vmem>>
        %dma_start3A_111 = arith.constant 0 : i32
        %dma_start3A_112 = arith.constant 0 : i32
        %dma_start3A_113 = tpu.memref_slice %arg24[%dma_start3A_111, %dma_start3A_112] : memref<10112x128xbf16, #tpu.memory_space<vmem_shared>> -> memref<10112x128xbf16, #tpu.memory_space<vmem_shared>>
        tpu.enqueue_indirect_dma source(%arg17 : memref<64x128xbf16, #tpu.memory_space<vmem>>) target(%dma_start3A_113 : memref<10112x128xbf16, #tpu.memory_space<vmem_shared>>) offsets(%dma_start3A_110 : memref<64xi32, #tpu.memory_space<vmem>>) semaphore(%arg36 : memref<!tpu.dma_semaphore, #tpu.memory_space<semaphore_mem>>) {add = true}
        %dma_wait3A_114 = arith.constant 0 : i32
        %dma_wait3A_115 = arith.constant 0 : i32
        %dma_wait3A_116 = tpu.memref_slice %arg2[%dma_wait3A_114, %dma_wait3A_115] : memref<10000x128xbf16, #tpu.memory_space<hbm>> -> memref<64x128xbf16, #tpu.memory_space<hbm>>
        %dma_wait3A_117 = arith.constant 0 : i32
        %dma_wait3A_118 = arith.constant 0 : i32
        %dma_wait3A_119 = tpu.memref_slice %arg2[%dma_wait3A_117, %dma_wait3A_118] : memref<10000x128xbf16, #tpu.memory_space<hbm>> -> memref<64x128xbf16, #tpu.memory_space<hbm>>
        tpu.wait_dma2 semaphore(%arg29 : memref<!tpu.dma_semaphore, #tpu.memory_space<semaphore_mem>>) src(%dma_wait3A_119 : memref<64x128xbf16, #tpu.memory_space<hbm>>) dst(%arg18 : memref<64x128xbf16, #tpu.memory_space<vmem>>)
        %add3A_120 = arith.constant 3 : i32
        %add3A_121 = arith.addi %mul3A_73, %add3A_120 : i32
        %dma_start3A_122 = arith.constant 0 : i32
        %dma_start3A_123 = tpu.memref_slice %arg14[%add3A_121, %dma_start3A_122] : memref<160x64xi32, #tpu.memory_space<vmem>> -> memref<1x64xi32, #tpu.memory_space<vmem>>
        %dma_start3A_124 = tpu.memref_squeeze %dma_start3A_123 : memref<1x64xi32, #tpu.memory_space<vmem>> -> memref<64xi32, #tpu.memory_space<vmem>>
        %dma_start3A_125 = arith.constant 0 : i32
        %dma_start3A_126 = arith.constant 0 : i32
        %dma_start3A_127 = tpu.memref_slice %arg24[%dma_start3A_125, %dma_start3A_126] : memref<10112x128xbf16, #tpu.memory_space<vmem_shared>> -> memref<10112x128xbf16, #tpu.memory_space<vmem_shared>>
        tpu.enqueue_indirect_dma source(%arg18 : memref<64x128xbf16, #tpu.memory_space<vmem>>) target(%dma_start3A_127 : memref<10112x128xbf16, #tpu.memory_space<vmem_shared>>) offsets(%dma_start3A_124 : memref<64xi32, #tpu.memory_space<vmem>>) semaphore(%arg37 : memref<!tpu.dma_semaphore, #tpu.memory_space<semaphore_mem>>) {add = true}
        %lt3A = arith.constant 10 : i32
        %lt3A_128 = arith.cmpi slt, %scan3A_69, %lt3A : i32
        %convert_element_type3A_129 = arith.extui %lt3A_128 : i1 to i32
        %cond3A_130 = arith.constant 0 : i32
        %cond3A_131 = arith.cmpi ne, %convert_element_type3A_129, %cond3A_130 : i32
        scf.if %cond3A_131 {
          %add3A_292 = arith.constant 0 : i32
          %add3A_293 = arith.addi %mul3A_73, %add3A_292 : i32
          %dma_start3A_294 = arith.constant 0 : i32
          %dma_start3A_295 = tpu.memref_slice %arg14[%add3A_293, %dma_start3A_294] : memref<160x64xi32, #tpu.memory_space<vmem>> -> memref<1x64xi32, #tpu.memory_space<vmem>>
          %dma_start3A_296 = tpu.memref_squeeze %dma_start3A_295 : memref<1x64xi32, #tpu.memory_space<vmem>> -> memref<64xi32, #tpu.memory_space<vmem>>
          %dma_start3A_297 = arith.constant 0 : i32
          %dma_start3A_298 = arith.constant 0 : i32
          %dma_start3A_299 = tpu.memref_slice %arg25[%dma_start3A_297, %dma_start3A_298] : memref<10112x16xf32, #tpu.memory_space<vmem_shared>> -> memref<10112x16xf32, #tpu.memory_space<vmem_shared>>
          tpu.enqueue_indirect_dma source(%arg23 : memref<64x16xf32, #tpu.memory_space<vmem>>) target(%dma_start3A_299 : memref<10112x16xf32, #tpu.memory_space<vmem_shared>>) offsets(%dma_start3A_296 : memref<64xi32, #tpu.memory_space<vmem>>) semaphore(%arg42 : memref<!tpu.dma_semaphore, #tpu.memory_space<semaphore_mem>>) {add = true}
          %add3A_300 = arith.constant 1 : i32
          %add3A_301 = arith.addi %mul3A_73, %add3A_300 : i32
          %dma_start3A_302 = arith.constant 0 : i32
          %dma_start3A_303 = tpu.memref_slice %arg14[%add3A_301, %dma_start3A_302] : memref<160x64xi32, #tpu.memory_space<vmem>> -> memref<1x64xi32, #tpu.memory_space<vmem>>
          %dma_start3A_304 = tpu.memref_squeeze %dma_start3A_303 : memref<1x64xi32, #tpu.memory_space<vmem>> -> memref<64xi32, #tpu.memory_space<vmem>>
          %dma_start3A_305 = arith.constant 0 : i32
          %dma_start3A_306 = arith.constant 0 : i32
          %dma_start3A_307 = tpu.memref_slice %arg25[%dma_start3A_305, %dma_start3A_306] : memref<10112x16xf32, #tpu.memory_space<vmem_shared>> -> memref<10112x16xf32, #tpu.memory_space<vmem_shared>>
          tpu.enqueue_indirect_dma source(%arg23 : memref<64x16xf32, #tpu.memory_space<vmem>>) target(%dma_start3A_307 : memref<10112x16xf32, #tpu.memory_space<vmem_shared>>) offsets(%dma_start3A_304 : memref<64xi32, #tpu.memory_space<vmem>>) semaphore(%arg42 : memref<!tpu.dma_semaphore, #tpu.memory_space<semaphore_mem>>) {add = true}
          %add3A_308 = arith.constant 2 : i32
          %add3A_309 = arith.addi %mul3A_73, %add3A_308 : i32
          %dma_start3A_310 = arith.constant 0 : i32
          %dma_start3A_311 = tpu.memref_slice %arg14[%add3A_309, %dma_start3A_310] : memref<160x64xi32, #tpu.memory_space<vmem>> -> memref<1x64xi32, #tpu.memory_space<vmem>>
          %dma_start3A_312 = tpu.memref_squeeze %dma_start3A_311 : memref<1x64xi32, #tpu.memory_space<vmem>> -> memref<64xi32, #tpu.memory_space<vmem>>
          %dma_start3A_313 = arith.constant 0 : i32
          %dma_start3A_314 = arith.constant 0 : i32
          %dma_start3A_315 = tpu.memref_slice %arg25[%dma_start3A_313, %dma_start3A_314] : memref<10112x16xf32, #tpu.memory_space<vmem_shared>> -> memref<10112x16xf32, #tpu.memory_space<vmem_shared>>
          tpu.enqueue_indirect_dma source(%arg23 : memref<64x16xf32, #tpu.memory_space<vmem>>) target(%dma_start3A_315 : memref<10112x16xf32, #tpu.memory_space<vmem_shared>>) offsets(%dma_start3A_312 : memref<64xi32, #tpu.memory_space<vmem>>) semaphore(%arg42 : memref<!tpu.dma_semaphore, #tpu.memory_space<semaphore_mem>>) {add = true}
          %add3A_316 = arith.constant 3 : i32
          %add3A_317 = arith.addi %mul3A_73, %add3A_316 : i32
          %dma_start3A_318 = arith.constant 0 : i32
          %dma_start3A_319 = tpu.memref_slice %arg14[%add3A_317, %dma_start3A_318] : memref<160x64xi32, #tpu.memory_space<vmem>> -> memref<1x64xi32, #tpu.memory_space<vmem>>
          %dma_start3A_320 = tpu.memref_squeeze %dma_start3A_319 : memref<1x64xi32, #tpu.memory_space<vmem>> -> memref<64xi32, #tpu.memory_space<vmem>>
          %dma_start3A_321 = arith.constant 0 : i32
          %dma_start3A_322 = arith.constant 0 : i32
          %dma_start3A_323 = tpu.memref_slice %arg25[%dma_start3A_321, %dma_start3A_322] : memref<10112x16xf32, #tpu.memory_space<vmem_shared>> -> memref<10112x16xf32, #tpu.memory_space<vmem_shared>>
          tpu.enqueue_indirect_dma source(%arg23 : memref<64x16xf32, #tpu.memory_space<vmem>>) target(%dma_start3A_323 : memref<10112x16xf32, #tpu.memory_space<vmem_shared>>) offsets(%dma_start3A_320 : memref<64xi32, #tpu.memory_space<vmem>>) semaphore(%arg42 : memref<!tpu.dma_semaphore, #tpu.memory_space<semaphore_mem>>) {add = true}
        } else {
        }
        %add3A_132 = arith.constant 4 : i32
        %add3A_133 = arith.addi %mul3A_73, %add3A_132 : i32
        %dma_wait3A_134 = arith.constant 0 : i32
        %dma_wait3A_135 = arith.constant 0 : i32
        %dma_wait3A_136 = tpu.memref_slice %arg2[%dma_wait3A_134, %dma_wait3A_135] : memref<10000x128xbf16, #tpu.memory_space<hbm>> -> memref<64x128xbf16, #tpu.memory_space<hbm>>
        %dma_wait3A_137 = arith.constant 0 : i32
        %dma_wait3A_138 = arith.constant 0 : i32
        %dma_wait3A_139 = tpu.memref_slice %arg2[%dma_wait3A_137, %dma_wait3A_138] : memref<10000x128xbf16, #tpu.memory_space<hbm>> -> memref<64x128xbf16, #tpu.memory_space<hbm>>
        tpu.wait_dma2 semaphore(%arg30 : memref<!tpu.dma_semaphore, #tpu.memory_space<semaphore_mem>>) src(%dma_wait3A_139 : memref<64x128xbf16, #tpu.memory_space<hbm>>) dst(%arg19 : memref<64x128xbf16, #tpu.memory_space<vmem>>)
        %add3A_140 = arith.constant 0 : i32
        %add3A_141 = arith.addi %add3A_133, %add3A_140 : i32
        %dma_start3A_142 = arith.constant 0 : i32
        %dma_start3A_143 = tpu.memref_slice %arg14[%add3A_141, %dma_start3A_142] : memref<160x64xi32, #tpu.memory_space<vmem>> -> memref<1x64xi32, #tpu.memory_space<vmem>>
        %dma_start3A_144 = tpu.memref_squeeze %dma_start3A_143 : memref<1x64xi32, #tpu.memory_space<vmem>> -> memref<64xi32, #tpu.memory_space<vmem>>
        %dma_start3A_145 = arith.constant 0 : i32
        %dma_start3A_146 = arith.constant 0 : i32
        %dma_start3A_147 = tpu.memref_slice %arg24[%dma_start3A_145, %dma_start3A_146] : memref<10112x128xbf16, #tpu.memory_space<vmem_shared>> -> memref<10112x128xbf16, #tpu.memory_space<vmem_shared>>
        tpu.enqueue_indirect_dma source(%arg19 : memref<64x128xbf16, #tpu.memory_space<vmem>>) target(%dma_start3A_147 : memref<10112x128xbf16, #tpu.memory_space<vmem_shared>>) offsets(%dma_start3A_144 : memref<64xi32, #tpu.memory_space<vmem>>) semaphore(%arg38 : memref<!tpu.dma_semaphore, #tpu.memory_space<semaphore_mem>>) {add = true}
        %dma_wait3A_148 = arith.constant 0 : i32
        %dma_wait3A_149 = arith.constant 0 : i32
        %dma_wait3A_150 = tpu.memref_slice %arg2[%dma_wait3A_148, %dma_wait3A_149] : memref<10000x128xbf16, #tpu.memory_space<hbm>> -> memref<64x128xbf16, #tpu.memory_space<hbm>>
        %dma_wait3A_151 = arith.constant 0 : i32
        %dma_wait3A_152 = arith.constant 0 : i32
        %dma_wait3A_153 = tpu.memref_slice %arg2[%dma_wait3A_151, %dma_wait3A_152] : memref<10000x128xbf16, #tpu.memory_space<hbm>> -> memref<64x128xbf16, #tpu.memory_space<hbm>>
        tpu.wait_dma2 semaphore(%arg31 : memref<!tpu.dma_semaphore, #tpu.memory_space<semaphore_mem>>) src(%dma_wait3A_153 : memref<64x128xbf16, #tpu.memory_space<hbm>>) dst(%arg20 : memref<64x128xbf16, #tpu.memory_space<vmem>>)
        %add3A_154 = arith.constant 1 : i32
        %add3A_155 = arith.addi %add3A_133, %add3A_154 : i32
        %dma_start3A_156 = arith.constant 0 : i32
        %dma_start3A_157 = tpu.memref_slice %arg14[%add3A_155, %dma_start3A_156] : memref<160x64xi32, #tpu.memory_space<vmem>> -> memref<1x64xi32, #tpu.memory_space<vmem>>
        %dma_start3A_158 = tpu.memref_squeeze %dma_start3A_157 : memref<1x64xi32, #tpu.memory_space<vmem>> -> memref<64xi32, #tpu.memory_space<vmem>>
        %dma_start3A_159 = arith.constant 0 : i32
        %dma_start3A_160 = arith.constant 0 : i32
        %dma_start3A_161 = tpu.memref_slice %arg24[%dma_start3A_159, %dma_start3A_160] : memref<10112x128xbf16, #tpu.memory_space<vmem_shared>> -> memref<10112x128xbf16, #tpu.memory_space<vmem_shared>>
        tpu.enqueue_indirect_dma source(%arg20 : memref<64x128xbf16, #tpu.memory_space<vmem>>) target(%dma_start3A_161 : memref<10112x128xbf16, #tpu.memory_space<vmem_shared>>) offsets(%dma_start3A_158 : memref<64xi32, #tpu.memory_space<vmem>>) semaphore(%arg39 : memref<!tpu.dma_semaphore, #tpu.memory_space<semaphore_mem>>) {add = true}
        %dma_wait3A_162 = arith.constant 0 : i32
        %dma_wait3A_163 = arith.constant 0 : i32
        %dma_wait3A_164 = tpu.memref_slice %arg2[%dma_wait3A_162, %dma_wait3A_163] : memref<10000x128xbf16, #tpu.memory_space<hbm>> -> memref<64x128xbf16, #tpu.memory_space<hbm>>
        %dma_wait3A_165 = arith.constant 0 : i32
        %dma_wait3A_166 = arith.constant 0 : i32
        %dma_wait3A_167 = tpu.memref_slice %arg2[%dma_wait3A_165, %dma_wait3A_166] : memref<10000x128xbf16, #tpu.memory_space<hbm>> -> memref<64x128xbf16, #tpu.memory_space<hbm>>
        tpu.wait_dma2 semaphore(%arg32 : memref<!tpu.dma_semaphore, #tpu.memory_space<semaphore_mem>>) src(%dma_wait3A_167 : memref<64x128xbf16, #tpu.memory_space<hbm>>) dst(%arg21 : memref<64x128xbf16, #tpu.memory_space<vmem>>)
        %add3A_168 = arith.constant 2 : i32
        %add3A_169 = arith.addi %add3A_133, %add3A_168 : i32
        %dma_start3A_170 = arith.constant 0 : i32
        %dma_start3A_171 = tpu.memref_slice %arg14[%add3A_169, %dma_start3A_170] : memref<160x64xi32, #tpu.memory_space<vmem>> -> memref<1x64xi32, #tpu.memory_space<vmem>>
        %dma_start3A_172 = tpu.memref_squeeze %dma_start3A_171 : memref<1x64xi32, #tpu.memory_space<vmem>> -> memref<64xi32, #tpu.memory_space<vmem>>
        %dma_start3A_173 = arith.constant 0 : i32
        %dma_start3A_174 = arith.constant 0 : i32
        %dma_start3A_175 = tpu.memref_slice %arg24[%dma_start3A_173, %dma_start3A_174] : memref<10112x128xbf16, #tpu.memory_space<vmem_shared>> -> memref<10112x128xbf16, #tpu.memory_space<vmem_shared>>
        tpu.enqueue_indirect_dma source(%arg21 : memref<64x128xbf16, #tpu.memory_space<vmem>>) target(%dma_start3A_175 : memref<10112x128xbf16, #tpu.memory_space<vmem_shared>>) offsets(%dma_start3A_172 : memref<64xi32, #tpu.memory_space<vmem>>) semaphore(%arg40 : memref<!tpu.dma_semaphore, #tpu.memory_space<semaphore_mem>>) {add = true}
        %dma_wait3A_176 = arith.constant 0 : i32
        %dma_wait3A_177 = arith.constant 0 : i32
        %dma_wait3A_178 = tpu.memref_slice %arg2[%dma_wait3A_176, %dma_wait3A_177] : memref<10000x128xbf16, #tpu.memory_space<hbm>> -> memref<64x128xbf16, #tpu.memory_space<hbm>>
        %dma_wait3A_179 = arith.constant 0 : i32
        %dma_wait3A_180 = arith.constant 0 : i32
        %dma_wait3A_181 = tpu.memref_slice %arg2[%dma_wait3A_179, %dma_wait3A_180] : memref<10000x128xbf16, #tpu.memory_space<hbm>> -> memref<64x128xbf16, #tpu.memory_space<hbm>>
        tpu.wait_dma2 semaphore(%arg33 : memref<!tpu.dma_semaphore, #tpu.memory_space<semaphore_mem>>) src(%dma_wait3A_181 : memref<64x128xbf16, #tpu.memory_space<hbm>>) dst(%arg22 : memref<64x128xbf16, #tpu.memory_space<vmem>>)
        %add3A_182 = arith.constant 3 : i32
        %add3A_183 = arith.addi %add3A_133, %add3A_182 : i32
        %dma_start3A_184 = arith.constant 0 : i32
        %dma_start3A_185 = tpu.memref_slice %arg14[%add3A_183, %dma_start3A_184] : memref<160x64xi32, #tpu.memory_space<vmem>> -> memref<1x64xi32, #tpu.memory_space<vmem>>
        %dma_start3A_186 = tpu.memref_squeeze %dma_start3A_185 : memref<1x64xi32, #tpu.memory_space<vmem>> -> memref<64xi32, #tpu.memory_space<vmem>>
        %dma_start3A_187 = arith.constant 0 : i32
        %dma_start3A_188 = arith.constant 0 : i32
        %dma_start3A_189 = tpu.memref_slice %arg24[%dma_start3A_187, %dma_start3A_188] : memref<10112x128xbf16, #tpu.memory_space<vmem_shared>> -> memref<10112x128xbf16, #tpu.memory_space<vmem_shared>>
        tpu.enqueue_indirect_dma source(%arg22 : memref<64x128xbf16, #tpu.memory_space<vmem>>) target(%dma_start3A_189 : memref<10112x128xbf16, #tpu.memory_space<vmem_shared>>) offsets(%dma_start3A_186 : memref<64xi32, #tpu.memory_space<vmem>>) semaphore(%arg41 : memref<!tpu.dma_semaphore, #tpu.memory_space<semaphore_mem>>) {add = true}
        %lt3A_190 = arith.constant 10 : i32
        %lt3A_191 = arith.cmpi slt, %scan3A_69, %lt3A_190 : i32
        %convert_element_type3A_192 = arith.extui %lt3A_191 : i1 to i32
        %cond3A_193 = arith.constant 0 : i32
        %cond3A_194 = arith.cmpi ne, %convert_element_type3A_192, %cond3A_193 : i32
        scf.if %cond3A_194 {
          %add3A_292 = arith.constant 0 : i32
          %add3A_293 = arith.addi %add3A_133, %add3A_292 : i32
          %dma_start3A_294 = arith.constant 0 : i32
          %dma_start3A_295 = tpu.memref_slice %arg14[%add3A_293, %dma_start3A_294] : memref<160x64xi32, #tpu.memory_space<vmem>> -> memref<1x64xi32, #tpu.memory_space<vmem>>
          %dma_start3A_296 = tpu.memref_squeeze %dma_start3A_295 : memref<1x64xi32, #tpu.memory_space<vmem>> -> memref<64xi32, #tpu.memory_space<vmem>>
          %dma_start3A_297 = arith.constant 0 : i32
          %dma_start3A_298 = arith.constant 0 : i32
          %dma_start3A_299 = tpu.memref_slice %arg25[%dma_start3A_297, %dma_start3A_298] : memref<10112x16xf32, #tpu.memory_space<vmem_shared>> -> memref<10112x16xf32, #tpu.memory_space<vmem_shared>>
          tpu.enqueue_indirect_dma source(%arg23 : memref<64x16xf32, #tpu.memory_space<vmem>>) target(%dma_start3A_299 : memref<10112x16xf32, #tpu.memory_space<vmem_shared>>) offsets(%dma_start3A_296 : memref<64xi32, #tpu.memory_space<vmem>>) semaphore(%arg42 : memref<!tpu.dma_semaphore, #tpu.memory_space<semaphore_mem>>) {add = true}
          %add3A_300 = arith.constant 1 : i32
          %add3A_301 = arith.addi %add3A_133, %add3A_300 : i32
          %dma_start3A_302 = arith.constant 0 : i32
          %dma_start3A_303 = tpu.memref_slice %arg14[%add3A_301, %dma_start3A_302] : memref<160x64xi32, #tpu.memory_space<vmem>> -> memref<1x64xi32, #tpu.memory_space<vmem>>
          %dma_start3A_304 = tpu.memref_squeeze %dma_start3A_303 : memref<1x64xi32, #tpu.memory_space<vmem>> -> memref<64xi32, #tpu.memory_space<vmem>>
          %dma_start3A_305 = arith.constant 0 : i32
          %dma_start3A_306 = arith.constant 0 : i32
          %dma_start3A_307 = tpu.memref_slice %arg25[%dma_start3A_305, %dma_start3A_306] : memref<10112x16xf32, #tpu.memory_space<vmem_shared>> -> memref<10112x16xf32, #tpu.memory_space<vmem_shared>>
          tpu.enqueue_indirect_dma source(%arg23 : memref<64x16xf32, #tpu.memory_space<vmem>>) target(%dma_start3A_307 : memref<10112x16xf32, #tpu.memory_space<vmem_shared>>) offsets(%dma_start3A_304 : memref<64xi32, #tpu.memory_space<vmem>>) semaphore(%arg42 : memref<!tpu.dma_semaphore, #tpu.memory_space<semaphore_mem>>) {add = true}
          %add3A_308 = arith.constant 2 : i32
          %add3A_309 = arith.addi %add3A_133, %add3A_308 : i32
          %dma_start3A_310 = arith.constant 0 : i32
          %dma_start3A_311 = tpu.memref_slice %arg14[%add3A_309, %dma_start3A_310] : memref<160x64xi32, #tpu.memory_space<vmem>> -> memref<1x64xi32, #tpu.memory_space<vmem>>
          %dma_start3A_312 = tpu.memref_squeeze %dma_start3A_311 : memref<1x64xi32, #tpu.memory_space<vmem>> -> memref<64xi32, #tpu.memory_space<vmem>>
          %dma_start3A_313 = arith.constant 0 : i32
          %dma_start3A_314 = arith.constant 0 : i32
          %dma_start3A_315 = tpu.memref_slice %arg25[%dma_start3A_313, %dma_start3A_314] : memref<10112x16xf32, #tpu.memory_space<vmem_shared>> -> memref<10112x16xf32, #tpu.memory_space<vmem_shared>>
          tpu.enqueue_indirect_dma source(%arg23 : memref<64x16xf32, #tpu.memory_space<vmem>>) target(%dma_start3A_315 : memref<10112x16xf32, #tpu.memory_space<vmem_shared>>) offsets(%dma_start3A_312 : memref<64xi32, #tpu.memory_space<vmem>>) semaphore(%arg42 : memref<!tpu.dma_semaphore, #tpu.memory_space<semaphore_mem>>) {add = true}
          %add3A_316 = arith.constant 3 : i32
          %add3A_317 = arith.addi %add3A_133, %add3A_316 : i32
          %dma_start3A_318 = arith.constant 0 : i32
          %dma_start3A_319 = tpu.memref_slice %arg14[%add3A_317, %dma_start3A_318] : memref<160x64xi32, #tpu.memory_space<vmem>> -> memref<1x64xi32, #tpu.memory_space<vmem>>
          %dma_start3A_320 = tpu.memref_squeeze %dma_start3A_319 : memref<1x64xi32, #tpu.memory_space<vmem>> -> memref<64xi32, #tpu.memory_space<vmem>>
          %dma_start3A_321 = arith.constant 0 : i32
          %dma_start3A_322 = arith.constant 0 : i32
          %dma_start3A_323 = tpu.memref_slice %arg25[%dma_start3A_321, %dma_start3A_322] : memref<10112x16xf32, #tpu.memory_space<vmem_shared>> -> memref<10112x16xf32, #tpu.memory_space<vmem_shared>>
          tpu.enqueue_indirect_dma source(%arg23 : memref<64x16xf32, #tpu.memory_space<vmem>>) target(%dma_start3A_323 : memref<10112x16xf32, #tpu.memory_space<vmem_shared>>) offsets(%dma_start3A_320 : memref<64xi32, #tpu.memory_space<vmem>>) semaphore(%arg42 : memref<!tpu.dma_semaphore, #tpu.memory_space<semaphore_mem>>) {add = true}
        } else {
        }
        %add3A_195 = arith.constant 8 : i32
        %add3A_196 = arith.addi %mul3A_73, %add3A_195 : i32
        %dma_wait3A_197 = arith.constant 0 : i32
        %dma_wait3A_198 = arith.constant 0 : i32
        %dma_wait3A_199 = tpu.memref_slice %arg2[%dma_wait3A_197, %dma_wait3A_198] : memref<10000x128xbf16, #tpu.memory_space<hbm>> -> memref<64x128xbf16, #tpu.memory_space<hbm>>
        %dma_wait3A_200 = arith.constant 0 : i32
        %dma_wait3A_201 = arith.constant 0 : i32
        %dma_wait3A_202 = tpu.memref_slice %arg2[%dma_wait3A_200, %dma_wait3A_201] : memref<10000x128xbf16, #tpu.memory_space<hbm>> -> memref<64x128xbf16, #tpu.memory_space<hbm>>
        tpu.wait_dma2 semaphore(%arg34 : memref<!tpu.dma_semaphore, #tpu.memory_space<semaphore_mem>>) src(%dma_wait3A_202 : memref<64x128xbf16, #tpu.memory_space<hbm>>) dst(%arg15 : memref<64x128xbf16, #tpu.memory_space<vmem>>)
        %lt3A_203 = arith.constant 19 : i32
        %lt3A_204 = arith.cmpi slt, %scan3A_69, %lt3A_203 : i32
        %convert_element_type3A_205 = arith.extui %lt3A_204 : i1 to i32
        %cond3A_206 = arith.constant 0 : i32
        %cond3A_207 = arith.cmpi ne, %convert_element_type3A_205, %cond3A_206 : i32
        scf.if %cond3A_207 {
          %add3A_292 = arith.constant 0 : i32
          %add3A_293 = arith.addi %add3A_196, %add3A_292 : i32
          %dma_start3A_294 = arith.constant 0 : i32
          %dma_start3A_295 = tpu.memref_slice %arg13[%add3A_293, %dma_start3A_294] : memref<160x64xi32, #tpu.memory_space<vmem>> -> memref<1x64xi32, #tpu.memory_space<vmem>>
          %dma_start3A_296 = tpu.memref_squeeze %dma_start3A_295 : memref<1x64xi32, #tpu.memory_space<vmem>> -> memref<64xi32, #tpu.memory_space<vmem>>
          %dma_start3A_297 = arith.constant 0 : i32
          %dma_start3A_298 = arith.constant 0 : i32
          %dma_start3A_299 = tpu.memref_slice %arg2[%dma_start3A_297, %dma_start3A_298] : memref<10000x128xbf16, #tpu.memory_space<hbm>> -> memref<10000x128xbf16, #tpu.memory_space<hbm>>
          tpu.enqueue_indirect_dma source(%dma_start3A_299 : memref<10000x128xbf16, #tpu.memory_space<hbm>>) target(%arg15 : memref<64x128xbf16, #tpu.memory_space<vmem>>) offsets(%dma_start3A_296 : memref<64xi32, #tpu.memory_space<vmem>>) semaphore(%arg26 : memref<!tpu.dma_semaphore, #tpu.memory_space<semaphore_mem>>)
        } else {
        }
        %dma_wait3A_208 = arith.constant 0 : i32
        %dma_wait3A_209 = arith.constant 0 : i32
        %dma_wait3A_210 = tpu.memref_slice %arg2[%dma_wait3A_208, %dma_wait3A_209] : memref<10000x128xbf16, #tpu.memory_space<hbm>> -> memref<64x128xbf16, #tpu.memory_space<hbm>>
        %dma_wait3A_211 = arith.constant 0 : i32
        %dma_wait3A_212 = arith.constant 0 : i32
        %dma_wait3A_213 = tpu.memref_slice %arg2[%dma_wait3A_211, %dma_wait3A_212] : memref<10000x128xbf16, #tpu.memory_space<hbm>> -> memref<64x128xbf16, #tpu.memory_space<hbm>>
        tpu.wait_dma2 semaphore(%arg35 : memref<!tpu.dma_semaphore, #tpu.memory_space<semaphore_mem>>) src(%dma_wait3A_213 : memref<64x128xbf16, #tpu.memory_space<hbm>>) dst(%arg16 : memref<64x128xbf16, #tpu.memory_space<vmem>>)
        %lt3A_214 = arith.constant 19 : i32
        %lt3A_215 = arith.cmpi slt, %scan3A_69, %lt3A_214 : i32
        %convert_element_type3A_216 = arith.extui %lt3A_215 : i1 to i32
        %cond3A_217 = arith.constant 0 : i32
        %cond3A_218 = arith.cmpi ne, %convert_element_type3A_216, %cond3A_217 : i32
        scf.if %cond3A_218 {
          %add3A_292 = arith.constant 1 : i32
          %add3A_293 = arith.addi %add3A_196, %add3A_292 : i32
          %dma_start3A_294 = arith.constant 0 : i32
          %dma_start3A_295 = tpu.memref_slice %arg13[%add3A_293, %dma_start3A_294] : memref<160x64xi32, #tpu.memory_space<vmem>> -> memref<1x64xi32, #tpu.memory_space<vmem>>
          %dma_start3A_296 = tpu.memref_squeeze %dma_start3A_295 : memref<1x64xi32, #tpu.memory_space<vmem>> -> memref<64xi32, #tpu.memory_space<vmem>>
          %dma_start3A_297 = arith.constant 0 : i32
          %dma_start3A_298 = arith.constant 0 : i32
          %dma_start3A_299 = tpu.memref_slice %arg2[%dma_start3A_297, %dma_start3A_298] : memref<10000x128xbf16, #tpu.memory_space<hbm>> -> memref<10000x128xbf16, #tpu.memory_space<hbm>>
          tpu.enqueue_indirect_dma source(%dma_start3A_299 : memref<10000x128xbf16, #tpu.memory_space<hbm>>) target(%arg16 : memref<64x128xbf16, #tpu.memory_space<vmem>>) offsets(%dma_start3A_296 : memref<64xi32, #tpu.memory_space<vmem>>) semaphore(%arg27 : memref<!tpu.dma_semaphore, #tpu.memory_space<semaphore_mem>>)
        } else {
        }
        %dma_wait3A_219 = arith.constant 0 : i32
        %dma_wait3A_220 = arith.constant 0 : i32
        %dma_wait3A_221 = tpu.memref_slice %arg2[%dma_wait3A_219, %dma_wait3A_220] : memref<10000x128xbf16, #tpu.memory_space<hbm>> -> memref<64x128xbf16, #tpu.memory_space<hbm>>
        %dma_wait3A_222 = arith.constant 0 : i32
        %dma_wait3A_223 = arith.constant 0 : i32
        %dma_wait3A_224 = tpu.memref_slice %arg2[%dma_wait3A_222, %dma_wait3A_223] : memref<10000x128xbf16, #tpu.memory_space<hbm>> -> memref<64x128xbf16, #tpu.memory_space<hbm>>
        tpu.wait_dma2 semaphore(%arg36 : memref<!tpu.dma_semaphore, #tpu.memory_space<semaphore_mem>>) src(%dma_wait3A_224 : memref<64x128xbf16, #tpu.memory_space<hbm>>) dst(%arg17 : memref<64x128xbf16, #tpu.memory_space<vmem>>)
        %lt3A_225 = arith.constant 19 : i32
        %lt3A_226 = arith.cmpi slt, %scan3A_69, %lt3A_225 : i32
        %convert_element_type3A_227 = arith.extui %lt3A_226 : i1 to i32
        %cond3A_228 = arith.constant 0 : i32
        %cond3A_229 = arith.cmpi ne, %convert_element_type3A_227, %cond3A_228 : i32
        scf.if %cond3A_229 {
          %add3A_292 = arith.constant 2 : i32
          %add3A_293 = arith.addi %add3A_196, %add3A_292 : i32
          %dma_start3A_294 = arith.constant 0 : i32
          %dma_start3A_295 = tpu.memref_slice %arg13[%add3A_293, %dma_start3A_294] : memref<160x64xi32, #tpu.memory_space<vmem>> -> memref<1x64xi32, #tpu.memory_space<vmem>>
          %dma_start3A_296 = tpu.memref_squeeze %dma_start3A_295 : memref<1x64xi32, #tpu.memory_space<vmem>> -> memref<64xi32, #tpu.memory_space<vmem>>
          %dma_start3A_297 = arith.constant 0 : i32
          %dma_start3A_298 = arith.constant 0 : i32
          %dma_start3A_299 = tpu.memref_slice %arg2[%dma_start3A_297, %dma_start3A_298] : memref<10000x128xbf16, #tpu.memory_space<hbm>> -> memref<10000x128xbf16, #tpu.memory_space<hbm>>
          tpu.enqueue_indirect_dma source(%dma_start3A_299 : memref<10000x128xbf16, #tpu.memory_space<hbm>>) target(%arg17 : memref<64x128xbf16, #tpu.memory_space<vmem>>) offsets(%dma_start3A_296 : memref<64xi32, #tpu.memory_space<vmem>>) semaphore(%arg28 : memref<!tpu.dma_semaphore, #tpu.memory_space<semaphore_mem>>)
        } else {
        }
        %dma_wait3A_230 = arith.constant 0 : i32
        %dma_wait3A_231 = arith.constant 0 : i32
        %dma_wait3A_232 = tpu.memref_slice %arg2[%dma_wait3A_230, %dma_wait3A_231] : memref<10000x128xbf16, #tpu.memory_space<hbm>> -> memref<64x128xbf16, #tpu.memory_space<hbm>>
        %dma_wait3A_233 = arith.constant 0 : i32
        %dma_wait3A_234 = arith.constant 0 : i32
        %dma_wait3A_235 = tpu.memref_slice %arg2[%dma_wait3A_233, %dma_wait3A_234] : memref<10000x128xbf16, #tpu.memory_space<hbm>> -> memref<64x128xbf16, #tpu.memory_space<hbm>>
        tpu.wait_dma2 semaphore(%arg37 : memref<!tpu.dma_semaphore, #tpu.memory_space<semaphore_mem>>) src(%dma_wait3A_235 : memref<64x128xbf16, #tpu.memory_space<hbm>>) dst(%arg18 : memref<64x128xbf16, #tpu.memory_space<vmem>>)
        %lt3A_236 = arith.constant 19 : i32
        %lt3A_237 = arith.cmpi slt, %scan3A_69, %lt3A_236 : i32
        %convert_element_type3A_238 = arith.extui %lt3A_237 : i1 to i32
        %cond3A_239 = arith.constant 0 : i32
        %cond3A_240 = arith.cmpi ne, %convert_element_type3A_238, %cond3A_239 : i32
        scf.if %cond3A_240 {
          %add3A_292 = arith.constant 3 : i32
          %add3A_293 = arith.addi %add3A_196, %add3A_292 : i32
          %dma_start3A_294 = arith.constant 0 : i32
          %dma_start3A_295 = tpu.memref_slice %arg13[%add3A_293, %dma_start3A_294] : memref<160x64xi32, #tpu.memory_space<vmem>> -> memref<1x64xi32, #tpu.memory_space<vmem>>
          %dma_start3A_296 = tpu.memref_squeeze %dma_start3A_295 : memref<1x64xi32, #tpu.memory_space<vmem>> -> memref<64xi32, #tpu.memory_space<vmem>>
          %dma_start3A_297 = arith.constant 0 : i32
          %dma_start3A_298 = arith.constant 0 : i32
          %dma_start3A_299 = tpu.memref_slice %arg2[%dma_start3A_297, %dma_start3A_298] : memref<10000x128xbf16, #tpu.memory_space<hbm>> -> memref<10000x128xbf16, #tpu.memory_space<hbm>>
          tpu.enqueue_indirect_dma source(%dma_start3A_299 : memref<10000x128xbf16, #tpu.memory_space<hbm>>) target(%arg18 : memref<64x128xbf16, #tpu.memory_space<vmem>>) offsets(%dma_start3A_296 : memref<64xi32, #tpu.memory_space<vmem>>) semaphore(%arg29 : memref<!tpu.dma_semaphore, #tpu.memory_space<semaphore_mem>>)
        } else {
        }
        %add3A_241 = arith.constant 12 : i32
        %add3A_242 = arith.addi %mul3A_73, %add3A_241 : i32
        %dma_wait3A_243 = arith.constant 0 : i32
        %dma_wait3A_244 = arith.constant 0 : i32
        %dma_wait3A_245 = tpu.memref_slice %arg2[%dma_wait3A_243, %dma_wait3A_244] : memref<10000x128xbf16, #tpu.memory_space<hbm>> -> memref<64x128xbf16, #tpu.memory_space<hbm>>
        %dma_wait3A_246 = arith.constant 0 : i32
        %dma_wait3A_247 = arith.constant 0 : i32
        %dma_wait3A_248 = tpu.memref_slice %arg2[%dma_wait3A_246, %dma_wait3A_247] : memref<10000x128xbf16, #tpu.memory_space<hbm>> -> memref<64x128xbf16, #tpu.memory_space<hbm>>
        tpu.wait_dma2 semaphore(%arg38 : memref<!tpu.dma_semaphore, #tpu.memory_space<semaphore_mem>>) src(%dma_wait3A_248 : memref<64x128xbf16, #tpu.memory_space<hbm>>) dst(%arg19 : memref<64x128xbf16, #tpu.memory_space<vmem>>)
        %lt3A_249 = arith.constant 19 : i32
        %lt3A_250 = arith.cmpi slt, %scan3A_69, %lt3A_249 : i32
        %convert_element_type3A_251 = arith.extui %lt3A_250 : i1 to i32
        %cond3A_252 = arith.constant 0 : i32
        %cond3A_253 = arith.cmpi ne, %convert_element_type3A_251, %cond3A_252 : i32
        scf.if %cond3A_253 {
          %add3A_292 = arith.constant 0 : i32
          %add3A_293 = arith.addi %add3A_242, %add3A_292 : i32
          %dma_start3A_294 = arith.constant 0 : i32
          %dma_start3A_295 = tpu.memref_slice %arg13[%add3A_293, %dma_start3A_294] : memref<160x64xi32, #tpu.memory_space<vmem>> -> memref<1x64xi32, #tpu.memory_space<vmem>>
          %dma_start3A_296 = tpu.memref_squeeze %dma_start3A_295 : memref<1x64xi32, #tpu.memory_space<vmem>> -> memref<64xi32, #tpu.memory_space<vmem>>
          %dma_start3A_297 = arith.constant 0 : i32
          %dma_start3A_298 = arith.constant 0 : i32
          %dma_start3A_299 = tpu.memref_slice %arg2[%dma_start3A_297, %dma_start3A_298] : memref<10000x128xbf16, #tpu.memory_space<hbm>> -> memref<10000x128xbf16, #tpu.memory_space<hbm>>
          tpu.enqueue_indirect_dma source(%dma_start3A_299 : memref<10000x128xbf16, #tpu.memory_space<hbm>>) target(%arg19 : memref<64x128xbf16, #tpu.memory_space<vmem>>) offsets(%dma_start3A_296 : memref<64xi32, #tpu.memory_space<vmem>>) semaphore(%arg30 : memref<!tpu.dma_semaphore, #tpu.memory_space<semaphore_mem>>)
        } else {
        }
        %dma_wait3A_254 = arith.constant 0 : i32
        %dma_wait3A_255 = arith.constant 0 : i32
        %dma_wait3A_256 = tpu.memref_slice %arg2[%dma_wait3A_254, %dma_wait3A_255] : memref<10000x128xbf16, #tpu.memory_space<hbm>> -> memref<64x128xbf16, #tpu.memory_space<hbm>>
        %dma_wait3A_257 = arith.constant 0 : i32
        %dma_wait3A_258 = arith.constant 0 : i32
        %dma_wait3A_259 = tpu.memref_slice %arg2[%dma_wait3A_257, %dma_wait3A_258] : memref<10000x128xbf16, #tpu.memory_space<hbm>> -> memref<64x128xbf16, #tpu.memory_space<hbm>>
        tpu.wait_dma2 semaphore(%arg39 : memref<!tpu.dma_semaphore, #tpu.memory_space<semaphore_mem>>) src(%dma_wait3A_259 : memref<64x128xbf16, #tpu.memory_space<hbm>>) dst(%arg20 : memref<64x128xbf16, #tpu.memory_space<vmem>>)
        %lt3A_260 = arith.constant 19 : i32
        %lt3A_261 = arith.cmpi slt, %scan3A_69, %lt3A_260 : i32
        %convert_element_type3A_262 = arith.extui %lt3A_261 : i1 to i32
        %cond3A_263 = arith.constant 0 : i32
        %cond3A_264 = arith.cmpi ne, %convert_element_type3A_262, %cond3A_263 : i32
        scf.if %cond3A_264 {
          %add3A_292 = arith.constant 1 : i32
          %add3A_293 = arith.addi %add3A_242, %add3A_292 : i32
          %dma_start3A_294 = arith.constant 0 : i32
          %dma_start3A_295 = tpu.memref_slice %arg13[%add3A_293, %dma_start3A_294] : memref<160x64xi32, #tpu.memory_space<vmem>> -> memref<1x64xi32, #tpu.memory_space<vmem>>
          %dma_start3A_296 = tpu.memref_squeeze %dma_start3A_295 : memref<1x64xi32, #tpu.memory_space<vmem>> -> memref<64xi32, #tpu.memory_space<vmem>>
          %dma_start3A_297 = arith.constant 0 : i32
          %dma_start3A_298 = arith.constant 0 : i32
          %dma_start3A_299 = tpu.memref_slice %arg2[%dma_start3A_297, %dma_start3A_298] : memref<10000x128xbf16, #tpu.memory_space<hbm>> -> memref<10000x128xbf16, #tpu.memory_space<hbm>>
          tpu.enqueue_indirect_dma source(%dma_start3A_299 : memref<10000x128xbf16, #tpu.memory_space<hbm>>) target(%arg20 : memref<64x128xbf16, #tpu.memory_space<vmem>>) offsets(%dma_start3A_296 : memref<64xi32, #tpu.memory_space<vmem>>) semaphore(%arg31 : memref<!tpu.dma_semaphore, #tpu.memory_space<semaphore_mem>>)
        } else {
        }
        %dma_wait3A_265 = arith.constant 0 : i32
        %dma_wait3A_266 = arith.constant 0 : i32
        %dma_wait3A_267 = tpu.memref_slice %arg2[%dma_wait3A_265, %dma_wait3A_266] : memref<10000x128xbf16, #tpu.memory_space<hbm>> -> memref<64x128xbf16, #tpu.memory_space<hbm>>
        %dma_wait3A_268 = arith.constant 0 : i32
        %dma_wait3A_269 = arith.constant 0 : i32
        %dma_wait3A_270 = tpu.memref_slice %arg2[%dma_wait3A_268, %dma_wait3A_269] : memref<10000x128xbf16, #tpu.memory_space<hbm>> -> memref<64x128xbf16, #tpu.memory_space<hbm>>
        tpu.wait_dma2 semaphore(%arg40 : memref<!tpu.dma_semaphore, #tpu.memory_space<semaphore_mem>>) src(%dma_wait3A_270 : memref<64x128xbf16, #tpu.memory_space<hbm>>) dst(%arg21 : memref<64x128xbf16, #tpu.memory_space<vmem>>)
        %lt3A_271 = arith.constant 19 : i32
        %lt3A_272 = arith.cmpi slt, %scan3A_69, %lt3A_271 : i32
        %convert_element_type3A_273 = arith.extui %lt3A_272 : i1 to i32
        %cond3A_274 = arith.constant 0 : i32
        %cond3A_275 = arith.cmpi ne, %convert_element_type3A_273, %cond3A_274 : i32
        scf.if %cond3A_275 {
          %add3A_292 = arith.constant 2 : i32
          %add3A_293 = arith.addi %add3A_242, %add3A_292 : i32
          %dma_start3A_294 = arith.constant 0 : i32
          %dma_start3A_295 = tpu.memref_slice %arg13[%add3A_293, %dma_start3A_294] : memref<160x64xi32, #tpu.memory_space<vmem>> -> memref<1x64xi32, #tpu.memory_space<vmem>>
          %dma_start3A_296 = tpu.memref_squeeze %dma_start3A_295 : memref<1x64xi32, #tpu.memory_space<vmem>> -> memref<64xi32, #tpu.memory_space<vmem>>
          %dma_start3A_297 = arith.constant 0 : i32
          %dma_start3A_298 = arith.constant 0 : i32
          %dma_start3A_299 = tpu.memref_slice %arg2[%dma_start3A_297, %dma_start3A_298] : memref<10000x128xbf16, #tpu.memory_space<hbm>> -> memref<10000x128xbf16, #tpu.memory_space<hbm>>
          tpu.enqueue_indirect_dma source(%dma_start3A_299 : memref<10000x128xbf16, #tpu.memory_space<hbm>>) target(%arg21 : memref<64x128xbf16, #tpu.memory_space<vmem>>) offsets(%dma_start3A_296 : memref<64xi32, #tpu.memory_space<vmem>>) semaphore(%arg32 : memref<!tpu.dma_semaphore, #tpu.memory_space<semaphore_mem>>)
        } else {
        }
        %dma_wait3A_276 = arith.constant 0 : i32
        %dma_wait3A_277 = arith.constant 0 : i32
        %dma_wait3A_278 = tpu.memref_slice %arg2[%dma_wait3A_276, %dma_wait3A_277] : memref<10000x128xbf16, #tpu.memory_space<hbm>> -> memref<64x128xbf16, #tpu.memory_space<hbm>>
        %dma_wait3A_279 = arith.constant 0 : i32
        %dma_wait3A_280 = arith.constant 0 : i32
        %dma_wait3A_281 = tpu.memref_slice %arg2[%dma_wait3A_279, %dma_wait3A_280] : memref<10000x128xbf16, #tpu.memory_space<hbm>> -> memref<64x128xbf16, #tpu.memory_space<hbm>>
        tpu.wait_dma2 semaphore(%arg41 : memref<!tpu.dma_semaphore, #tpu.memory_space<semaphore_mem>>) src(%dma_wait3A_281 : memref<64x128xbf16, #tpu.memory_space<hbm>>) dst(%arg22 : memref<64x128xbf16, #tpu.memory_space<vmem>>)
        %lt3A_282 = arith.constant 19 : i32
        %lt3A_283 = arith.cmpi slt, %scan3A_69, %lt3A_282 : i32
        %convert_element_type3A_284 = arith.extui %lt3A_283 : i1 to i32
        %cond3A_285 = arith.constant 0 : i32
        %cond3A_286 = arith.cmpi ne, %convert_element_type3A_284, %cond3A_285 : i32
        scf.if %cond3A_286 {
          %add3A_292 = arith.constant 3 : i32
          %add3A_293 = arith.addi %add3A_242, %add3A_292 : i32
          %dma_start3A_294 = arith.constant 0 : i32
          %dma_start3A_295 = tpu.memref_slice %arg13[%add3A_293, %dma_start3A_294] : memref<160x64xi32, #tpu.memory_space<vmem>> -> memref<1x64xi32, #tpu.memory_space<vmem>>
          %dma_start3A_296 = tpu.memref_squeeze %dma_start3A_295 : memref<1x64xi32, #tpu.memory_space<vmem>> -> memref<64xi32, #tpu.memory_space<vmem>>
          %dma_start3A_297 = arith.constant 0 : i32
          %dma_start3A_298 = arith.constant 0 : i32
          %dma_start3A_299 = tpu.memref_slice %arg2[%dma_start3A_297, %dma_start3A_298] : memref<10000x128xbf16, #tpu.memory_space<hbm>> -> memref<10000x128xbf16, #tpu.memory_space<hbm>>
          tpu.enqueue_indirect_dma source(%dma_start3A_299 : memref<10000x128xbf16, #tpu.memory_space<hbm>>) target(%arg22 : memref<64x128xbf16, #tpu.memory_space<vmem>>) offsets(%dma_start3A_296 : memref<64xi32, #tpu.memory_space<vmem>>) semaphore(%arg33 : memref<!tpu.dma_semaphore, #tpu.memory_space<semaphore_mem>>)
        } else {
        }
        %lt3A_287 = arith.constant 10 : i32
        %lt3A_288 = arith.cmpi slt, %scan3A_69, %lt3A_287 : i32
        %convert_element_type3A_289 = arith.extui %lt3A_288 : i1 to i32
        %cond3A_290 = arith.constant 0 : i32
        %cond3A_291 = arith.cmpi ne, %convert_element_type3A_289, %cond3A_290 : i32
        scf.if %cond3A_291 {
          tpu.wait_dma2 semaphore(%arg42 : memref<!tpu.dma_semaphore, #tpu.memory_space<semaphore_mem>>) src(%arg8 : memref<64x16xf32, #tpu.memory_space<hbm>>) dst(%arg23 : memref<64x16xf32, #tpu.memory_space<vmem>>)
          tpu.wait_dma2 semaphore(%arg42 : memref<!tpu.dma_semaphore, #tpu.memory_space<semaphore_mem>>) src(%arg8 : memref<64x16xf32, #tpu.memory_space<hbm>>) dst(%arg23 : memref<64x16xf32, #tpu.memory_space<vmem>>)
          tpu.wait_dma2 semaphore(%arg42 : memref<!tpu.dma_semaphore, #tpu.memory_space<semaphore_mem>>) src(%arg8 : memref<64x16xf32, #tpu.memory_space<hbm>>) dst(%arg23 : memref<64x16xf32, #tpu.memory_space<vmem>>)
          tpu.wait_dma2 semaphore(%arg42 : memref<!tpu.dma_semaphore, #tpu.memory_space<semaphore_mem>>) src(%arg8 : memref<64x16xf32, #tpu.memory_space<hbm>>) dst(%arg23 : memref<64x16xf32, #tpu.memory_space<vmem>>)
          tpu.wait_dma2 semaphore(%arg42 : memref<!tpu.dma_semaphore, #tpu.memory_space<semaphore_mem>>) src(%arg8 : memref<64x16xf32, #tpu.memory_space<hbm>>) dst(%arg23 : memref<64x16xf32, #tpu.memory_space<vmem>>)
          tpu.wait_dma2 semaphore(%arg42 : memref<!tpu.dma_semaphore, #tpu.memory_space<semaphore_mem>>) src(%arg8 : memref<64x16xf32, #tpu.memory_space<hbm>>) dst(%arg23 : memref<64x16xf32, #tpu.memory_space<vmem>>)
          tpu.wait_dma2 semaphore(%arg42 : memref<!tpu.dma_semaphore, #tpu.memory_space<semaphore_mem>>) src(%arg8 : memref<64x16xf32, #tpu.memory_space<hbm>>) dst(%arg23 : memref<64x16xf32, #tpu.memory_space<vmem>>)
          tpu.wait_dma2 semaphore(%arg42 : memref<!tpu.dma_semaphore, #tpu.memory_space<semaphore_mem>>) src(%arg8 : memref<64x16xf32, #tpu.memory_space<hbm>>) dst(%arg23 : memref<64x16xf32, #tpu.memory_space<vmem>>)
        } else {
        }
      }
      %scan3A_67 = arith.constant 20 : i32
      %barrier3A_68 = arith.constant 0 : index
      tpu.barrier barrier_id(%barrier3A_68)
      "tpu.region"() ({
        %run_scoped3A = tpu.sem_alloc : memref<!tpu.dma_semaphore, #tpu.memory_space<semaphore_mem>>
        %dma_start3A_69 = arith.constant 0 : i32
        %dma_start3A_70 = tpu.memref_slice %arg9[%mul3A_0, %dma_start3A_69] : memref<10112x128xbf16, #tpu.memory_space<hbm>> -> memref<632x128xbf16, #tpu.memory_space<hbm>>
        %dma_start3A_71 = arith.constant 0 : i32
        %dma_start3A_72 = tpu.memref_slice %arg24[%mul3A_0, %dma_start3A_71] : memref<10112x128xbf16, #tpu.memory_space<vmem_shared>> -> memref<632x128xbf16, #tpu.memory_space<vmem_shared>>
        tpu.enqueue_dma source(%dma_start3A_72 : memref<632x128xbf16, #tpu.memory_space<vmem_shared>>) target(%dma_start3A_70 : memref<632x128xbf16, #tpu.memory_space<hbm>>) target_semaphore(%run_scoped3A : memref<!tpu.dma_semaphore, #tpu.memory_space<semaphore_mem>>)
        %dma_wait3A = arith.constant 0 : i32
        %dma_wait3A_73 = tpu.memref_slice %arg9[%mul3A_0, %dma_wait3A] : memref<10112x128xbf16, #tpu.memory_space<hbm>> -> memref<632x128xbf16, #tpu.memory_space<hbm>>
        %dma_wait3A_74 = arith.constant 0 : i32
        %dma_wait3A_75 = tpu.memref_slice %arg24[%mul3A_0, %dma_wait3A_74] : memref<10112x128xbf16, #tpu.memory_space<vmem_shared>> -> memref<632x128xbf16, #tpu.memory_space<vmem_shared>>
        tpu.wait_dma2 semaphore(%run_scoped3A : memref<!tpu.dma_semaphore, #tpu.memory_space<semaphore_mem>>) src(%dma_wait3A_75 : memref<632x128xbf16, #tpu.memory_space<vmem_shared>>) dst(%dma_wait3A_73 : memref<632x128xbf16, #tpu.memory_space<hbm>>)
        tpu.yield
      }) : () -> ()
      "tpu.region"() ({
        %run_scoped3A = tpu.sem_alloc : memref<!tpu.dma_semaphore, #tpu.memory_space<semaphore_mem>>
        %dma_start3A_69 = arith.constant 0 : i32
        %dma_start3A_70 = tpu.memref_slice %arg11[%mul3A_0, %dma_start3A_69] : memref<10112x16xf32, #tpu.memory_space<hbm>> -> memref<632x16xf32, #tpu.memory_space<hbm>>
        %dma_start3A_71 = arith.constant 0 : i32
        %dma_start3A_72 = tpu.memref_slice %arg25[%mul3A_0, %dma_start3A_71] : memref<10112x16xf32, #tpu.memory_space<vmem_shared>> -> memref<632x16xf32, #tpu.memory_space<vmem_shared>>
        tpu.enqueue_dma source(%dma_start3A_72 : memref<632x16xf32, #tpu.memory_space<vmem_shared>>) target(%dma_start3A_70 : memref<632x16xf32, #tpu.memory_space<hbm>>) target_semaphore(%run_scoped3A : memref<!tpu.dma_semaphore, #tpu.memory_space<semaphore_mem>>)
        %dma_wait3A = arith.constant 0 : i32
        %dma_wait3A_73 = tpu.memref_slice %arg11[%mul3A_0, %dma_wait3A] : memref<10112x16xf32, #tpu.memory_space<hbm>> -> memref<632x16xf32, #tpu.memory_space<hbm>>
        %dma_wait3A_74 = arith.constant 0 : i32
        %dma_wait3A_75 = tpu.memref_slice %arg25[%mul3A_0, %dma_wait3A_74] : memref<10112x16xf32, #tpu.memory_space<vmem_shared>> -> memref<632x16xf32, #tpu.memory_space<vmem_shared>>
        tpu.wait_dma2 semaphore(%run_scoped3A : memref<!tpu.dma_semaphore, #tpu.memory_space<semaphore_mem>>) src(%dma_wait3A_75 : memref<632x16xf32, #tpu.memory_space<vmem_shared>>) dst(%dma_wait3A_73 : memref<632x16xf32, #tpu.memory_space<hbm>>)
        tpu.yield
      }) : () -> ()
    } else {
    }
    %eq3A_3 = arith.constant 1 : i32
    %eq3A_4 = arith.cmpi eq, %arg0, %eq3A_3 : i32
    %convert_element_type3A_5 = arith.extui %eq3A_4 : i1 to i32
    %cond3A_6 = arith.constant 0 : i32
    %cond3A_7 = arith.cmpi ne, %convert_element_type3A_5, %cond3A_6 : i32
    scf.if %cond3A_7 {
      "tpu.region"() ({
        %run_scoped3A = tpu.sem_alloc : memref<!tpu.dma_semaphore, #tpu.memory_space<semaphore_mem>>
        %dma_start3A_69 = arith.constant 0 : i32
        %dma_start3A_70 = tpu.memref_slice %arg24[%mul3A_0, %dma_start3A_69] : memref<10112x128xbf16, #tpu.memory_space<vmem_shared>> -> memref<632x128xbf16, #tpu.memory_space<vmem_shared>>
        tpu.enqueue_dma source(%arg6 : memref<632x128xbf16, #tpu.memory_space<hbm>>) target(%dma_start3A_70 : memref<632x128xbf16, #tpu.memory_space<vmem_shared>>) target_semaphore(%run_scoped3A : memref<!tpu.dma_semaphore, #tpu.memory_space<semaphore_mem>>)
        %dma_wait3A = arith.constant 0 : i32
        %dma_wait3A_71 = tpu.memref_slice %arg24[%mul3A_0, %dma_wait3A] : memref<10112x128xbf16, #tpu.memory_space<vmem_shared>> -> memref<632x128xbf16, #tpu.memory_space<vmem_shared>>
        tpu.wait_dma2 semaphore(%run_scoped3A : memref<!tpu.dma_semaphore, #tpu.memory_space<semaphore_mem>>) src(%arg6 : memref<632x128xbf16, #tpu.memory_space<hbm>>) dst(%dma_wait3A_71 : memref<632x128xbf16, #tpu.memory_space<vmem_shared>>)
        tpu.yield
      }) : () -> ()
      "tpu.region"() ({
        %run_scoped3A = tpu.sem_alloc : memref<!tpu.dma_semaphore, #tpu.memory_space<semaphore_mem>>
        %dma_start3A_69 = arith.constant 0 : i32
        %dma_start3A_70 = tpu.memref_slice %arg25[%mul3A_0, %dma_start3A_69] : memref<10112x16xf32, #tpu.memory_space<vmem_shared>> -> memref<632x16xf32, #tpu.memory_space<vmem_shared>>
        tpu.enqueue_dma source(%arg7 : memref<632x16xf32, #tpu.memory_space<hbm>>) target(%dma_start3A_70 : memref<632x16xf32, #tpu.memory_space<vmem_shared>>) target_semaphore(%run_scoped3A : memref<!tpu.dma_semaphore, #tpu.memory_space<semaphore_mem>>)
        %dma_wait3A = arith.constant 0 : i32
        %dma_wait3A_71 = tpu.memref_slice %arg25[%mul3A_0, %dma_wait3A] : memref<10112x16xf32, #tpu.memory_space<vmem_shared>> -> memref<632x16xf32, #tpu.memory_space<vmem_shared>>
        tpu.wait_dma2 semaphore(%run_scoped3A : memref<!tpu.dma_semaphore, #tpu.memory_space<semaphore_mem>>) src(%arg7 : memref<632x16xf32, #tpu.memory_space<hbm>>) dst(%dma_wait3A_71 : memref<632x16xf32, #tpu.memory_space<vmem_shared>>)
        tpu.yield
      }) : () -> ()
      %barrier3A = arith.constant 0 : index
      tpu.barrier barrier_id(%barrier3A)
      %dma_start3A = arith.constant 0 : i32
      %dma_start3A_8 = arith.constant 0 : i32
      %dma_start3A_9 = tpu.memref_slice %arg13[%dma_start3A, %dma_start3A_8] : memref<160x64xi32, #tpu.memory_space<vmem>> -> memref<1x64xi32, #tpu.memory_space<vmem>>
      %dma_start3A_10 = tpu.memref_squeeze %dma_start3A_9 : memref<1x64xi32, #tpu.memory_space<vmem>> -> memref<64xi32, #tpu.memory_space<vmem>>
      %dma_start3A_11 = arith.constant 0 : i32
      %dma_start3A_12 = arith.constant 0 : i32
      %dma_start3A_13 = tpu.memref_slice %arg3[%dma_start3A_11, %dma_start3A_12] : memref<10000x128xbf16, #tpu.memory_space<hbm>> -> memref<10000x128xbf16, #tpu.memory_space<hbm>>
      tpu.enqueue_indirect_dma source(%dma_start3A_13 : memref<10000x128xbf16, #tpu.memory_space<hbm>>) target(%arg15 : memref<64x128xbf16, #tpu.memory_space<vmem>>) offsets(%dma_start3A_10 : memref<64xi32, #tpu.memory_space<vmem>>) semaphore(%arg26 : memref<!tpu.dma_semaphore, #tpu.memory_space<semaphore_mem>>)
      %dma_start3A_14 = arith.constant 1 : i32
      %dma_start3A_15 = arith.constant 0 : i32
      %dma_start3A_16 = tpu.memref_slice %arg13[%dma_start3A_14, %dma_start3A_15] : memref<160x64xi32, #tpu.memory_space<vmem>> -> memref<1x64xi32, #tpu.memory_space<vmem>>
      %dma_start3A_17 = tpu.memref_squeeze %dma_start3A_16 : memref<1x64xi32, #tpu.memory_space<vmem>> -> memref<64xi32, #tpu.memory_space<vmem>>
      %dma_start3A_18 = arith.constant 0 : i32
      %dma_start3A_19 = arith.constant 0 : i32
      %dma_start3A_20 = tpu.memref_slice %arg3[%dma_start3A_18, %dma_start3A_19] : memref<10000x128xbf16, #tpu.memory_space<hbm>> -> memref<10000x128xbf16, #tpu.memory_space<hbm>>
      tpu.enqueue_indirect_dma source(%dma_start3A_20 : memref<10000x128xbf16, #tpu.memory_space<hbm>>) target(%arg16 : memref<64x128xbf16, #tpu.memory_space<vmem>>) offsets(%dma_start3A_17 : memref<64xi32, #tpu.memory_space<vmem>>) semaphore(%arg27 : memref<!tpu.dma_semaphore, #tpu.memory_space<semaphore_mem>>)
      %dma_start3A_21 = arith.constant 2 : i32
      %dma_start3A_22 = arith.constant 0 : i32
      %dma_start3A_23 = tpu.memref_slice %arg13[%dma_start3A_21, %dma_start3A_22] : memref<160x64xi32, #tpu.memory_space<vmem>> -> memref<1x64xi32, #tpu.memory_space<vmem>>
      %dma_start3A_24 = tpu.memref_squeeze %dma_start3A_23 : memref<1x64xi32, #tpu.memory_space<vmem>> -> memref<64xi32, #tpu.memory_space<vmem>>
      %dma_start3A_25 = arith.constant 0 : i32
      %dma_start3A_26 = arith.constant 0 : i32
      %dma_start3A_27 = tpu.memref_slice %arg3[%dma_start3A_25, %dma_start3A_26] : memref<10000x128xbf16, #tpu.memory_space<hbm>> -> memref<10000x128xbf16, #tpu.memory_space<hbm>>
      tpu.enqueue_indirect_dma source(%dma_start3A_27 : memref<10000x128xbf16, #tpu.memory_space<hbm>>) target(%arg17 : memref<64x128xbf16, #tpu.memory_space<vmem>>) offsets(%dma_start3A_24 : memref<64xi32, #tpu.memory_space<vmem>>) semaphore(%arg28 : memref<!tpu.dma_semaphore, #tpu.memory_space<semaphore_mem>>)
      %dma_start3A_28 = arith.constant 3 : i32
      %dma_start3A_29 = arith.constant 0 : i32
      %dma_start3A_30 = tpu.memref_slice %arg13[%dma_start3A_28, %dma_start3A_29] : memref<160x64xi32, #tpu.memory_space<vmem>> -> memref<1x64xi32, #tpu.memory_space<vmem>>
      %dma_start3A_31 = tpu.memref_squeeze %dma_start3A_30 : memref<1x64xi32, #tpu.memory_space<vmem>> -> memref<64xi32, #tpu.memory_space<vmem>>
      %dma_start3A_32 = arith.constant 0 : i32
      %dma_start3A_33 = arith.constant 0 : i32
      %dma_start3A_34 = tpu.memref_slice %arg3[%dma_start3A_32, %dma_start3A_33] : memref<10000x128xbf16, #tpu.memory_space<hbm>> -> memref<10000x128xbf16, #tpu.memory_space<hbm>>
      tpu.enqueue_indirect_dma source(%dma_start3A_34 : memref<10000x128xbf16, #tpu.memory_space<hbm>>) target(%arg18 : memref<64x128xbf16, #tpu.memory_space<vmem>>) offsets(%dma_start3A_31 : memref<64xi32, #tpu.memory_space<vmem>>) semaphore(%arg29 : memref<!tpu.dma_semaphore, #tpu.memory_space<semaphore_mem>>)
      %dma_start3A_35 = arith.constant 4 : i32
      %dma_start3A_36 = arith.constant 0 : i32
      %dma_start3A_37 = tpu.memref_slice %arg13[%dma_start3A_35, %dma_start3A_36] : memref<160x64xi32, #tpu.memory_space<vmem>> -> memref<1x64xi32, #tpu.memory_space<vmem>>
      %dma_start3A_38 = tpu.memref_squeeze %dma_start3A_37 : memref<1x64xi32, #tpu.memory_space<vmem>> -> memref<64xi32, #tpu.memory_space<vmem>>
      %dma_start3A_39 = arith.constant 0 : i32
      %dma_start3A_40 = arith.constant 0 : i32
      %dma_start3A_41 = tpu.memref_slice %arg3[%dma_start3A_39, %dma_start3A_40] : memref<10000x128xbf16, #tpu.memory_space<hbm>> -> memref<10000x128xbf16, #tpu.memory_space<hbm>>
      tpu.enqueue_indirect_dma source(%dma_start3A_41 : memref<10000x128xbf16, #tpu.memory_space<hbm>>) target(%arg19 : memref<64x128xbf16, #tpu.memory_space<vmem>>) offsets(%dma_start3A_38 : memref<64xi32, #tpu.memory_space<vmem>>) semaphore(%arg30 : memref<!tpu.dma_semaphore, #tpu.memory_space<semaphore_mem>>)
      %dma_start3A_42 = arith.constant 5 : i32
      %dma_start3A_43 = arith.constant 0 : i32
      %dma_start3A_44 = tpu.memref_slice %arg13[%dma_start3A_42, %dma_start3A_43] : memref<160x64xi32, #tpu.memory_space<vmem>> -> memref<1x64xi32, #tpu.memory_space<vmem>>
      %dma_start3A_45 = tpu.memref_squeeze %dma_start3A_44 : memref<1x64xi32, #tpu.memory_space<vmem>> -> memref<64xi32, #tpu.memory_space<vmem>>
      %dma_start3A_46 = arith.constant 0 : i32
      %dma_start3A_47 = arith.constant 0 : i32
      %dma_start3A_48 = tpu.memref_slice %arg3[%dma_start3A_46, %dma_start3A_47] : memref<10000x128xbf16, #tpu.memory_space<hbm>> -> memref<10000x128xbf16, #tpu.memory_space<hbm>>
      tpu.enqueue_indirect_dma source(%dma_start3A_48 : memref<10000x128xbf16, #tpu.memory_space<hbm>>) target(%arg20 : memref<64x128xbf16, #tpu.memory_space<vmem>>) offsets(%dma_start3A_45 : memref<64xi32, #tpu.memory_space<vmem>>) semaphore(%arg31 : memref<!tpu.dma_semaphore, #tpu.memory_space<semaphore_mem>>)
      %dma_start3A_49 = arith.constant 6 : i32
      %dma_start3A_50 = arith.constant 0 : i32
      %dma_start3A_51 = tpu.memref_slice %arg13[%dma_start3A_49, %dma_start3A_50] : memref<160x64xi32, #tpu.memory_space<vmem>> -> memref<1x64xi32, #tpu.memory_space<vmem>>
      %dma_start3A_52 = tpu.memref_squeeze %dma_start3A_51 : memref<1x64xi32, #tpu.memory_space<vmem>> -> memref<64xi32, #tpu.memory_space<vmem>>
      %dma_start3A_53 = arith.constant 0 : i32
      %dma_start3A_54 = arith.constant 0 : i32
      %dma_start3A_55 = tpu.memref_slice %arg3[%dma_start3A_53, %dma_start3A_54] : memref<10000x128xbf16, #tpu.memory_space<hbm>> -> memref<10000x128xbf16, #tpu.memory_space<hbm>>
      tpu.enqueue_indirect_dma source(%dma_start3A_55 : memref<10000x128xbf16, #tpu.memory_space<hbm>>) target(%arg21 : memref<64x128xbf16, #tpu.memory_space<vmem>>) offsets(%dma_start3A_52 : memref<64xi32, #tpu.memory_space<vmem>>) semaphore(%arg32 : memref<!tpu.dma_semaphore, #tpu.memory_space<semaphore_mem>>)
      %dma_start3A_56 = arith.constant 7 : i32
      %dma_start3A_57 = arith.constant 0 : i32
      %dma_start3A_58 = tpu.memref_slice %arg13[%dma_start3A_56, %dma_start3A_57] : memref<160x64xi32, #tpu.memory_space<vmem>> -> memref<1x64xi32, #tpu.memory_space<vmem>>
      %dma_start3A_59 = tpu.memref_squeeze %dma_start3A_58 : memref<1x64xi32, #tpu.memory_space<vmem>> -> memref<64xi32, #tpu.memory_space<vmem>>
      %dma_start3A_60 = arith.constant 0 : i32
      %dma_start3A_61 = arith.constant 0 : i32
      %dma_start3A_62 = tpu.memref_slice %arg3[%dma_start3A_60, %dma_start3A_61] : memref<10000x128xbf16, #tpu.memory_space<hbm>> -> memref<10000x128xbf16, #tpu.memory_space<hbm>>
      tpu.enqueue_indirect_dma source(%dma_start3A_62 : memref<10000x128xbf16, #tpu.memory_space<hbm>>) target(%arg22 : memref<64x128xbf16, #tpu.memory_space<vmem>>) offsets(%dma_start3A_59 : memref<64xi32, #tpu.memory_space<vmem>>) semaphore(%arg33 : memref<!tpu.dma_semaphore, #tpu.memory_space<semaphore_mem>>)
      %scan3A = arith.constant 0 : i32
      %scan3A_63 = arith.constant 0 : i32
      %scan3A_64 = arith.constant 20 : i32
      %scan3A_65 = arith.addi %scan3A_63, %scan3A_64 : i32
      %scan3A_66 = arith.constant 1 : i32
      scf.for %scan3A_69 = %scan3A_63 to %scan3A_65 step %scan3A_66  : i32 {
        %mul3A_70 = arith.constant 2 : i32
        %mul3A_71 = arith.muli %scan3A_69, %mul3A_70 : i32
        %mul3A_72 = arith.constant 4 : i32
        %mul3A_73 = arith.muli %mul3A_71, %mul3A_72 : i32
        %dma_wait3A = arith.constant 0 : i32
        %dma_wait3A_74 = arith.constant 0 : i32
        %dma_wait3A_75 = tpu.memref_slice %arg3[%dma_wait3A, %dma_wait3A_74] : memref<10000x128xbf16, #tpu.memory_space<hbm>> -> memref<64x128xbf16, #tpu.memory_space<hbm>>
        %dma_wait3A_76 = arith.constant 0 : i32
        %dma_wait3A_77 = arith.constant 0 : i32
        %dma_wait3A_78 = tpu.memref_slice %arg3[%dma_wait3A_76, %dma_wait3A_77] : memref<10000x128xbf16, #tpu.memory_space<hbm>> -> memref<64x128xbf16, #tpu.memory_space<hbm>>
        tpu.wait_dma2 semaphore(%arg26 : memref<!tpu.dma_semaphore, #tpu.memory_space<semaphore_mem>>) src(%dma_wait3A_78 : memref<64x128xbf16, #tpu.memory_space<hbm>>) dst(%arg15 : memref<64x128xbf16, #tpu.memory_space<vmem>>)
        %add3A = arith.constant 0 : i32
        %add3A_79 = arith.addi %mul3A_73, %add3A : i32
        %dma_start3A_80 = arith.constant 0 : i32
        %dma_start3A_81 = tpu.memref_slice %arg14[%add3A_79, %dma_start3A_80] : memref<160x64xi32, #tpu.memory_space<vmem>> -> memref<1x64xi32, #tpu.memory_space<vmem>>
        %dma_start3A_82 = tpu.memref_squeeze %dma_start3A_81 : memref<1x64xi32, #tpu.memory_space<vmem>> -> memref<64xi32, #tpu.memory_space<vmem>>
        %dma_start3A_83 = arith.constant 0 : i32
        %dma_start3A_84 = arith.constant 0 : i32
        %dma_start3A_85 = tpu.memref_slice %arg24[%dma_start3A_83, %dma_start3A_84] : memref<10112x128xbf16, #tpu.memory_space<vmem_shared>> -> memref<10112x128xbf16, #tpu.memory_space<vmem_shared>>
        tpu.enqueue_indirect_dma source(%arg15 : memref<64x128xbf16, #tpu.memory_space<vmem>>) target(%dma_start3A_85 : memref<10112x128xbf16, #tpu.memory_space<vmem_shared>>) offsets(%dma_start3A_82 : memref<64xi32, #tpu.memory_space<vmem>>) semaphore(%arg34 : memref<!tpu.dma_semaphore, #tpu.memory_space<semaphore_mem>>) {add = true}
        %dma_wait3A_86 = arith.constant 0 : i32
        %dma_wait3A_87 = arith.constant 0 : i32
        %dma_wait3A_88 = tpu.memref_slice %arg3[%dma_wait3A_86, %dma_wait3A_87] : memref<10000x128xbf16, #tpu.memory_space<hbm>> -> memref<64x128xbf16, #tpu.memory_space<hbm>>
        %dma_wait3A_89 = arith.constant 0 : i32
        %dma_wait3A_90 = arith.constant 0 : i32
        %dma_wait3A_91 = tpu.memref_slice %arg3[%dma_wait3A_89, %dma_wait3A_90] : memref<10000x128xbf16, #tpu.memory_space<hbm>> -> memref<64x128xbf16, #tpu.memory_space<hbm>>
        tpu.wait_dma2 semaphore(%arg27 : memref<!tpu.dma_semaphore, #tpu.memory_space<semaphore_mem>>) src(%dma_wait3A_91 : memref<64x128xbf16, #tpu.memory_space<hbm>>) dst(%arg16 : memref<64x128xbf16, #tpu.memory_space<vmem>>)
        %add3A_92 = arith.constant 1 : i32
        %add3A_93 = arith.addi %mul3A_73, %add3A_92 : i32
        %dma_start3A_94 = arith.constant 0 : i32
        %dma_start3A_95 = tpu.memref_slice %arg14[%add3A_93, %dma_start3A_94] : memref<160x64xi32, #tpu.memory_space<vmem>> -> memref<1x64xi32, #tpu.memory_space<vmem>>
        %dma_start3A_96 = tpu.memref_squeeze %dma_start3A_95 : memref<1x64xi32, #tpu.memory_space<vmem>> -> memref<64xi32, #tpu.memory_space<vmem>>
        %dma_start3A_97 = arith.constant 0 : i32
        %dma_start3A_98 = arith.constant 0 : i32
        %dma_start3A_99 = tpu.memref_slice %arg24[%dma_start3A_97, %dma_start3A_98] : memref<10112x128xbf16, #tpu.memory_space<vmem_shared>> -> memref<10112x128xbf16, #tpu.memory_space<vmem_shared>>
        tpu.enqueue_indirect_dma source(%arg16 : memref<64x128xbf16, #tpu.memory_space<vmem>>) target(%dma_start3A_99 : memref<10112x128xbf16, #tpu.memory_space<vmem_shared>>) offsets(%dma_start3A_96 : memref<64xi32, #tpu.memory_space<vmem>>) semaphore(%arg35 : memref<!tpu.dma_semaphore, #tpu.memory_space<semaphore_mem>>) {add = true}
        %dma_wait3A_100 = arith.constant 0 : i32
        %dma_wait3A_101 = arith.constant 0 : i32
        %dma_wait3A_102 = tpu.memref_slice %arg3[%dma_wait3A_100, %dma_wait3A_101] : memref<10000x128xbf16, #tpu.memory_space<hbm>> -> memref<64x128xbf16, #tpu.memory_space<hbm>>
        %dma_wait3A_103 = arith.constant 0 : i32
        %dma_wait3A_104 = arith.constant 0 : i32
        %dma_wait3A_105 = tpu.memref_slice %arg3[%dma_wait3A_103, %dma_wait3A_104] : memref<10000x128xbf16, #tpu.memory_space<hbm>> -> memref<64x128xbf16, #tpu.memory_space<hbm>>
        tpu.wait_dma2 semaphore(%arg28 : memref<!tpu.dma_semaphore, #tpu.memory_space<semaphore_mem>>) src(%dma_wait3A_105 : memref<64x128xbf16, #tpu.memory_space<hbm>>) dst(%arg17 : memref<64x128xbf16, #tpu.memory_space<vmem>>)
        %add3A_106 = arith.constant 2 : i32
        %add3A_107 = arith.addi %mul3A_73, %add3A_106 : i32
        %dma_start3A_108 = arith.constant 0 : i32
        %dma_start3A_109 = tpu.memref_slice %arg14[%add3A_107, %dma_start3A_108] : memref<160x64xi32, #tpu.memory_space<vmem>> -> memref<1x64xi32, #tpu.memory_space<vmem>>
        %dma_start3A_110 = tpu.memref_squeeze %dma_start3A_109 : memref<1x64xi32, #tpu.memory_space<vmem>> -> memref<64xi32, #tpu.memory_space<vmem>>
        %dma_start3A_111 = arith.constant 0 : i32
        %dma_start3A_112 = arith.constant 0 : i32
        %dma_start3A_113 = tpu.memref_slice %arg24[%dma_start3A_111, %dma_start3A_112] : memref<10112x128xbf16, #tpu.memory_space<vmem_shared>> -> memref<10112x128xbf16, #tpu.memory_space<vmem_shared>>
        tpu.enqueue_indirect_dma source(%arg17 : memref<64x128xbf16, #tpu.memory_space<vmem>>) target(%dma_start3A_113 : memref<10112x128xbf16, #tpu.memory_space<vmem_shared>>) offsets(%dma_start3A_110 : memref<64xi32, #tpu.memory_space<vmem>>) semaphore(%arg36 : memref<!tpu.dma_semaphore, #tpu.memory_space<semaphore_mem>>) {add = true}
        %dma_wait3A_114 = arith.constant 0 : i32
        %dma_wait3A_115 = arith.constant 0 : i32
        %dma_wait3A_116 = tpu.memref_slice %arg3[%dma_wait3A_114, %dma_wait3A_115] : memref<10000x128xbf16, #tpu.memory_space<hbm>> -> memref<64x128xbf16, #tpu.memory_space<hbm>>
        %dma_wait3A_117 = arith.constant 0 : i32
        %dma_wait3A_118 = arith.constant 0 : i32
        %dma_wait3A_119 = tpu.memref_slice %arg3[%dma_wait3A_117, %dma_wait3A_118] : memref<10000x128xbf16, #tpu.memory_space<hbm>> -> memref<64x128xbf16, #tpu.memory_space<hbm>>
        tpu.wait_dma2 semaphore(%arg29 : memref<!tpu.dma_semaphore, #tpu.memory_space<semaphore_mem>>) src(%dma_wait3A_119 : memref<64x128xbf16, #tpu.memory_space<hbm>>) dst(%arg18 : memref<64x128xbf16, #tpu.memory_space<vmem>>)
        %add3A_120 = arith.constant 3 : i32
        %add3A_121 = arith.addi %mul3A_73, %add3A_120 : i32
        %dma_start3A_122 = arith.constant 0 : i32
        %dma_start3A_123 = tpu.memref_slice %arg14[%add3A_121, %dma_start3A_122] : memref<160x64xi32, #tpu.memory_space<vmem>> -> memref<1x64xi32, #tpu.memory_space<vmem>>
        %dma_start3A_124 = tpu.memref_squeeze %dma_start3A_123 : memref<1x64xi32, #tpu.memory_space<vmem>> -> memref<64xi32, #tpu.memory_space<vmem>>
        %dma_start3A_125 = arith.constant 0 : i32
        %dma_start3A_126 = arith.constant 0 : i32
        %dma_start3A_127 = tpu.memref_slice %arg24[%dma_start3A_125, %dma_start3A_126] : memref<10112x128xbf16, #tpu.memory_space<vmem_shared>> -> memref<10112x128xbf16, #tpu.memory_space<vmem_shared>>
        tpu.enqueue_indirect_dma source(%arg18 : memref<64x128xbf16, #tpu.memory_space<vmem>>) target(%dma_start3A_127 : memref<10112x128xbf16, #tpu.memory_space<vmem_shared>>) offsets(%dma_start3A_124 : memref<64xi32, #tpu.memory_space<vmem>>) semaphore(%arg37 : memref<!tpu.dma_semaphore, #tpu.memory_space<semaphore_mem>>) {add = true}
        %ge3A = arith.constant 10 : i32
        %ge3A_128 = arith.cmpi sge, %scan3A_69, %ge3A : i32
        %convert_element_type3A_129 = arith.extui %ge3A_128 : i1 to i32
        %cond3A_130 = arith.constant 0 : i32
        %cond3A_131 = arith.cmpi ne, %convert_element_type3A_129, %cond3A_130 : i32
        scf.if %cond3A_131 {
          %add3A_291 = arith.constant 0 : i32
          %add3A_292 = arith.addi %mul3A_73, %add3A_291 : i32
          %dma_start3A_293 = arith.constant 0 : i32
          %dma_start3A_294 = tpu.memref_slice %arg14[%add3A_292, %dma_start3A_293] : memref<160x64xi32, #tpu.memory_space<vmem>> -> memref<1x64xi32, #tpu.memory_space<vmem>>
          %dma_start3A_295 = tpu.memref_squeeze %dma_start3A_294 : memref<1x64xi32, #tpu.memory_space<vmem>> -> memref<64xi32, #tpu.memory_space<vmem>>
          %dma_start3A_296 = arith.constant 0 : i32
          %dma_start3A_297 = arith.constant 0 : i32
          %dma_start3A_298 = tpu.memref_slice %arg25[%dma_start3A_296, %dma_start3A_297] : memref<10112x16xf32, #tpu.memory_space<vmem_shared>> -> memref<10112x16xf32, #tpu.memory_space<vmem_shared>>
          tpu.enqueue_indirect_dma source(%arg23 : memref<64x16xf32, #tpu.memory_space<vmem>>) target(%dma_start3A_298 : memref<10112x16xf32, #tpu.memory_space<vmem_shared>>) offsets(%dma_start3A_295 : memref<64xi32, #tpu.memory_space<vmem>>) semaphore(%arg42 : memref<!tpu.dma_semaphore, #tpu.memory_space<semaphore_mem>>) {add = true}
          %add3A_299 = arith.constant 1 : i32
          %add3A_300 = arith.addi %mul3A_73, %add3A_299 : i32
          %dma_start3A_301 = arith.constant 0 : i32
          %dma_start3A_302 = tpu.memref_slice %arg14[%add3A_300, %dma_start3A_301] : memref<160x64xi32, #tpu.memory_space<vmem>> -> memref<1x64xi32, #tpu.memory_space<vmem>>
          %dma_start3A_303 = tpu.memref_squeeze %dma_start3A_302 : memref<1x64xi32, #tpu.memory_space<vmem>> -> memref<64xi32, #tpu.memory_space<vmem>>
          %dma_start3A_304 = arith.constant 0 : i32
          %dma_start3A_305 = arith.constant 0 : i32
          %dma_start3A_306 = tpu.memref_slice %arg25[%dma_start3A_304, %dma_start3A_305] : memref<10112x16xf32, #tpu.memory_space<vmem_shared>> -> memref<10112x16xf32, #tpu.memory_space<vmem_shared>>
          tpu.enqueue_indirect_dma source(%arg23 : memref<64x16xf32, #tpu.memory_space<vmem>>) target(%dma_start3A_306 : memref<10112x16xf32, #tpu.memory_space<vmem_shared>>) offsets(%dma_start3A_303 : memref<64xi32, #tpu.memory_space<vmem>>) semaphore(%arg42 : memref<!tpu.dma_semaphore, #tpu.memory_space<semaphore_mem>>) {add = true}
          %add3A_307 = arith.constant 2 : i32
          %add3A_308 = arith.addi %mul3A_73, %add3A_307 : i32
          %dma_start3A_309 = arith.constant 0 : i32
          %dma_start3A_310 = tpu.memref_slice %arg14[%add3A_308, %dma_start3A_309] : memref<160x64xi32, #tpu.memory_space<vmem>> -> memref<1x64xi32, #tpu.memory_space<vmem>>
          %dma_start3A_311 = tpu.memref_squeeze %dma_start3A_310 : memref<1x64xi32, #tpu.memory_space<vmem>> -> memref<64xi32, #tpu.memory_space<vmem>>
          %dma_start3A_312 = arith.constant 0 : i32
          %dma_start3A_313 = arith.constant 0 : i32
          %dma_start3A_314 = tpu.memref_slice %arg25[%dma_start3A_312, %dma_start3A_313] : memref<10112x16xf32, #tpu.memory_space<vmem_shared>> -> memref<10112x16xf32, #tpu.memory_space<vmem_shared>>
          tpu.enqueue_indirect_dma source(%arg23 : memref<64x16xf32, #tpu.memory_space<vmem>>) target(%dma_start3A_314 : memref<10112x16xf32, #tpu.memory_space<vmem_shared>>) offsets(%dma_start3A_311 : memref<64xi32, #tpu.memory_space<vmem>>) semaphore(%arg42 : memref<!tpu.dma_semaphore, #tpu.memory_space<semaphore_mem>>) {add = true}
          %add3A_315 = arith.constant 3 : i32
          %add3A_316 = arith.addi %mul3A_73, %add3A_315 : i32
          %dma_start3A_317 = arith.constant 0 : i32
          %dma_start3A_318 = tpu.memref_slice %arg14[%add3A_316, %dma_start3A_317] : memref<160x64xi32, #tpu.memory_space<vmem>> -> memref<1x64xi32, #tpu.memory_space<vmem>>
          %dma_start3A_319 = tpu.memref_squeeze %dma_start3A_318 : memref<1x64xi32, #tpu.memory_space<vmem>> -> memref<64xi32, #tpu.memory_space<vmem>>
          %dma_start3A_320 = arith.constant 0 : i32
          %dma_start3A_321 = arith.constant 0 : i32
          %dma_start3A_322 = tpu.memref_slice %arg25[%dma_start3A_320, %dma_start3A_321] : memref<10112x16xf32, #tpu.memory_space<vmem_shared>> -> memref<10112x16xf32, #tpu.memory_space<vmem_shared>>
          tpu.enqueue_indirect_dma source(%arg23 : memref<64x16xf32, #tpu.memory_space<vmem>>) target(%dma_start3A_322 : memref<10112x16xf32, #tpu.memory_space<vmem_shared>>) offsets(%dma_start3A_319 : memref<64xi32, #tpu.memory_space<vmem>>) semaphore(%arg42 : memref<!tpu.dma_semaphore, #tpu.memory_space<semaphore_mem>>) {add = true}
        } else {
        }
        %add3A_132 = arith.constant 4 : i32
        %add3A_133 = arith.addi %mul3A_73, %add3A_132 : i32
        %dma_wait3A_134 = arith.constant 0 : i32
        %dma_wait3A_135 = arith.constant 0 : i32
        %dma_wait3A_136 = tpu.memref_slice %arg3[%dma_wait3A_134, %dma_wait3A_135] : memref<10000x128xbf16, #tpu.memory_space<hbm>> -> memref<64x128xbf16, #tpu.memory_space<hbm>>
        %dma_wait3A_137 = arith.constant 0 : i32
        %dma_wait3A_138 = arith.constant 0 : i32
        %dma_wait3A_139 = tpu.memref_slice %arg3[%dma_wait3A_137, %dma_wait3A_138] : memref<10000x128xbf16, #tpu.memory_space<hbm>> -> memref<64x128xbf16, #tpu.memory_space<hbm>>
        tpu.wait_dma2 semaphore(%arg30 : memref<!tpu.dma_semaphore, #tpu.memory_space<semaphore_mem>>) src(%dma_wait3A_139 : memref<64x128xbf16, #tpu.memory_space<hbm>>) dst(%arg19 : memref<64x128xbf16, #tpu.memory_space<vmem>>)
        %add3A_140 = arith.constant 0 : i32
        %add3A_141 = arith.addi %add3A_133, %add3A_140 : i32
        %dma_start3A_142 = arith.constant 0 : i32
        %dma_start3A_143 = tpu.memref_slice %arg14[%add3A_141, %dma_start3A_142] : memref<160x64xi32, #tpu.memory_space<vmem>> -> memref<1x64xi32, #tpu.memory_space<vmem>>
        %dma_start3A_144 = tpu.memref_squeeze %dma_start3A_143 : memref<1x64xi32, #tpu.memory_space<vmem>> -> memref<64xi32, #tpu.memory_space<vmem>>
        %dma_start3A_145 = arith.constant 0 : i32
        %dma_start3A_146 = arith.constant 0 : i32
        %dma_start3A_147 = tpu.memref_slice %arg24[%dma_start3A_145, %dma_start3A_146] : memref<10112x128xbf16, #tpu.memory_space<vmem_shared>> -> memref<10112x128xbf16, #tpu.memory_space<vmem_shared>>
        tpu.enqueue_indirect_dma source(%arg19 : memref<64x128xbf16, #tpu.memory_space<vmem>>) target(%dma_start3A_147 : memref<10112x128xbf16, #tpu.memory_space<vmem_shared>>) offsets(%dma_start3A_144 : memref<64xi32, #tpu.memory_space<vmem>>) semaphore(%arg38 : memref<!tpu.dma_semaphore, #tpu.memory_space<semaphore_mem>>) {add = true}
        %dma_wait3A_148 = arith.constant 0 : i32
        %dma_wait3A_149 = arith.constant 0 : i32
        %dma_wait3A_150 = tpu.memref_slice %arg3[%dma_wait3A_148, %dma_wait3A_149] : memref<10000x128xbf16, #tpu.memory_space<hbm>> -> memref<64x128xbf16, #tpu.memory_space<hbm>>
        %dma_wait3A_151 = arith.constant 0 : i32
        %dma_wait3A_152 = arith.constant 0 : i32
        %dma_wait3A_153 = tpu.memref_slice %arg3[%dma_wait3A_151, %dma_wait3A_152] : memref<10000x128xbf16, #tpu.memory_space<hbm>> -> memref<64x128xbf16, #tpu.memory_space<hbm>>
        tpu.wait_dma2 semaphore(%arg31 : memref<!tpu.dma_semaphore, #tpu.memory_space<semaphore_mem>>) src(%dma_wait3A_153 : memref<64x128xbf16, #tpu.memory_space<hbm>>) dst(%arg20 : memref<64x128xbf16, #tpu.memory_space<vmem>>)
        %add3A_154 = arith.constant 1 : i32
        %add3A_155 = arith.addi %add3A_133, %add3A_154 : i32
        %dma_start3A_156 = arith.constant 0 : i32
        %dma_start3A_157 = tpu.memref_slice %arg14[%add3A_155, %dma_start3A_156] : memref<160x64xi32, #tpu.memory_space<vmem>> -> memref<1x64xi32, #tpu.memory_space<vmem>>
        %dma_start3A_158 = tpu.memref_squeeze %dma_start3A_157 : memref<1x64xi32, #tpu.memory_space<vmem>> -> memref<64xi32, #tpu.memory_space<vmem>>
        %dma_start3A_159 = arith.constant 0 : i32
        %dma_start3A_160 = arith.constant 0 : i32
        %dma_start3A_161 = tpu.memref_slice %arg24[%dma_start3A_159, %dma_start3A_160] : memref<10112x128xbf16, #tpu.memory_space<vmem_shared>> -> memref<10112x128xbf16, #tpu.memory_space<vmem_shared>>
        tpu.enqueue_indirect_dma source(%arg20 : memref<64x128xbf16, #tpu.memory_space<vmem>>) target(%dma_start3A_161 : memref<10112x128xbf16, #tpu.memory_space<vmem_shared>>) offsets(%dma_start3A_158 : memref<64xi32, #tpu.memory_space<vmem>>) semaphore(%arg39 : memref<!tpu.dma_semaphore, #tpu.memory_space<semaphore_mem>>) {add = true}
        %dma_wait3A_162 = arith.constant 0 : i32
        %dma_wait3A_163 = arith.constant 0 : i32
        %dma_wait3A_164 = tpu.memref_slice %arg3[%dma_wait3A_162, %dma_wait3A_163] : memref<10000x128xbf16, #tpu.memory_space<hbm>> -> memref<64x128xbf16, #tpu.memory_space<hbm>>
        %dma_wait3A_165 = arith.constant 0 : i32
        %dma_wait3A_166 = arith.constant 0 : i32
        %dma_wait3A_167 = tpu.memref_slice %arg3[%dma_wait3A_165, %dma_wait3A_166] : memref<10000x128xbf16, #tpu.memory_space<hbm>> -> memref<64x128xbf16, #tpu.memory_space<hbm>>
        tpu.wait_dma2 semaphore(%arg32 : memref<!tpu.dma_semaphore, #tpu.memory_space<semaphore_mem>>) src(%dma_wait3A_167 : memref<64x128xbf16, #tpu.memory_space<hbm>>) dst(%arg21 : memref<64x128xbf16, #tpu.memory_space<vmem>>)
        %add3A_168 = arith.constant 2 : i32
        %add3A_169 = arith.addi %add3A_133, %add3A_168 : i32
        %dma_start3A_170 = arith.constant 0 : i32
        %dma_start3A_171 = tpu.memref_slice %arg14[%add3A_169, %dma_start3A_170] : memref<160x64xi32, #tpu.memory_space<vmem>> -> memref<1x64xi32, #tpu.memory_space<vmem>>
        %dma_start3A_172 = tpu.memref_squeeze %dma_start3A_171 : memref<1x64xi32, #tpu.memory_space<vmem>> -> memref<64xi32, #tpu.memory_space<vmem>>
        %dma_start3A_173 = arith.constant 0 : i32
        %dma_start3A_174 = arith.constant 0 : i32
        %dma_start3A_175 = tpu.memref_slice %arg24[%dma_start3A_173, %dma_start3A_174] : memref<10112x128xbf16, #tpu.memory_space<vmem_shared>> -> memref<10112x128xbf16, #tpu.memory_space<vmem_shared>>
        tpu.enqueue_indirect_dma source(%arg21 : memref<64x128xbf16, #tpu.memory_space<vmem>>) target(%dma_start3A_175 : memref<10112x128xbf16, #tpu.memory_space<vmem_shared>>) offsets(%dma_start3A_172 : memref<64xi32, #tpu.memory_space<vmem>>) semaphore(%arg40 : memref<!tpu.dma_semaphore, #tpu.memory_space<semaphore_mem>>) {add = true}
        %dma_wait3A_176 = arith.constant 0 : i32
        %dma_wait3A_177 = arith.constant 0 : i32
        %dma_wait3A_178 = tpu.memref_slice %arg3[%dma_wait3A_176, %dma_wait3A_177] : memref<10000x128xbf16, #tpu.memory_space<hbm>> -> memref<64x128xbf16, #tpu.memory_space<hbm>>
        %dma_wait3A_179 = arith.constant 0 : i32
        %dma_wait3A_180 = arith.constant 0 : i32
        %dma_wait3A_181 = tpu.memref_slice %arg3[%dma_wait3A_179, %dma_wait3A_180] : memref<10000x128xbf16, #tpu.memory_space<hbm>> -> memref<64x128xbf16, #tpu.memory_space<hbm>>
        tpu.wait_dma2 semaphore(%arg33 : memref<!tpu.dma_semaphore, #tpu.memory_space<semaphore_mem>>) src(%dma_wait3A_181 : memref<64x128xbf16, #tpu.memory_space<hbm>>) dst(%arg22 : memref<64x128xbf16, #tpu.memory_space<vmem>>)
        %add3A_182 = arith.constant 3 : i32
        %add3A_183 = arith.addi %add3A_133, %add3A_182 : i32
        %dma_start3A_184 = arith.constant 0 : i32
        %dma_start3A_185 = tpu.memref_slice %arg14[%add3A_183, %dma_start3A_184] : memref<160x64xi32, #tpu.memory_space<vmem>> -> memref<1x64xi32, #tpu.memory_space<vmem>>
        %dma_start3A_186 = tpu.memref_squeeze %dma_start3A_185 : memref<1x64xi32, #tpu.memory_space<vmem>> -> memref<64xi32, #tpu.memory_space<vmem>>
        %dma_start3A_187 = arith.constant 0 : i32
        %dma_start3A_188 = arith.constant 0 : i32
        %dma_start3A_189 = tpu.memref_slice %arg24[%dma_start3A_187, %dma_start3A_188] : memref<10112x128xbf16, #tpu.memory_space<vmem_shared>> -> memref<10112x128xbf16, #tpu.memory_space<vmem_shared>>
        tpu.enqueue_indirect_dma source(%arg22 : memref<64x128xbf16, #tpu.memory_space<vmem>>) target(%dma_start3A_189 : memref<10112x128xbf16, #tpu.memory_space<vmem_shared>>) offsets(%dma_start3A_186 : memref<64xi32, #tpu.memory_space<vmem>>) semaphore(%arg41 : memref<!tpu.dma_semaphore, #tpu.memory_space<semaphore_mem>>) {add = true}
        %ge3A_190 = arith.constant 10 : i32
        %ge3A_191 = arith.cmpi sge, %scan3A_69, %ge3A_190 : i32
        %convert_element_type3A_192 = arith.extui %ge3A_191 : i1 to i32
        %cond3A_193 = arith.constant 0 : i32
        %cond3A_194 = arith.cmpi ne, %convert_element_type3A_192, %cond3A_193 : i32
        scf.if %cond3A_194 {
          %add3A_291 = arith.constant 0 : i32
          %add3A_292 = arith.addi %add3A_133, %add3A_291 : i32
          %dma_start3A_293 = arith.constant 0 : i32
          %dma_start3A_294 = tpu.memref_slice %arg14[%add3A_292, %dma_start3A_293] : memref<160x64xi32, #tpu.memory_space<vmem>> -> memref<1x64xi32, #tpu.memory_space<vmem>>
          %dma_start3A_295 = tpu.memref_squeeze %dma_start3A_294 : memref<1x64xi32, #tpu.memory_space<vmem>> -> memref<64xi32, #tpu.memory_space<vmem>>
          %dma_start3A_296 = arith.constant 0 : i32
          %dma_start3A_297 = arith.constant 0 : i32
          %dma_start3A_298 = tpu.memref_slice %arg25[%dma_start3A_296, %dma_start3A_297] : memref<10112x16xf32, #tpu.memory_space<vmem_shared>> -> memref<10112x16xf32, #tpu.memory_space<vmem_shared>>
          tpu.enqueue_indirect_dma source(%arg23 : memref<64x16xf32, #tpu.memory_space<vmem>>) target(%dma_start3A_298 : memref<10112x16xf32, #tpu.memory_space<vmem_shared>>) offsets(%dma_start3A_295 : memref<64xi32, #tpu.memory_space<vmem>>) semaphore(%arg42 : memref<!tpu.dma_semaphore, #tpu.memory_space<semaphore_mem>>) {add = true}
          %add3A_299 = arith.constant 1 : i32
          %add3A_300 = arith.addi %add3A_133, %add3A_299 : i32
          %dma_start3A_301 = arith.constant 0 : i32
          %dma_start3A_302 = tpu.memref_slice %arg14[%add3A_300, %dma_start3A_301] : memref<160x64xi32, #tpu.memory_space<vmem>> -> memref<1x64xi32, #tpu.memory_space<vmem>>
          %dma_start3A_303 = tpu.memref_squeeze %dma_start3A_302 : memref<1x64xi32, #tpu.memory_space<vmem>> -> memref<64xi32, #tpu.memory_space<vmem>>
          %dma_start3A_304 = arith.constant 0 : i32
          %dma_start3A_305 = arith.constant 0 : i32
          %dma_start3A_306 = tpu.memref_slice %arg25[%dma_start3A_304, %dma_start3A_305] : memref<10112x16xf32, #tpu.memory_space<vmem_shared>> -> memref<10112x16xf32, #tpu.memory_space<vmem_shared>>
          tpu.enqueue_indirect_dma source(%arg23 : memref<64x16xf32, #tpu.memory_space<vmem>>) target(%dma_start3A_306 : memref<10112x16xf32, #tpu.memory_space<vmem_shared>>) offsets(%dma_start3A_303 : memref<64xi32, #tpu.memory_space<vmem>>) semaphore(%arg42 : memref<!tpu.dma_semaphore, #tpu.memory_space<semaphore_mem>>) {add = true}
          %add3A_307 = arith.constant 2 : i32
          %add3A_308 = arith.addi %add3A_133, %add3A_307 : i32
          %dma_start3A_309 = arith.constant 0 : i32
          %dma_start3A_310 = tpu.memref_slice %arg14[%add3A_308, %dma_start3A_309] : memref<160x64xi32, #tpu.memory_space<vmem>> -> memref<1x64xi32, #tpu.memory_space<vmem>>
          %dma_start3A_311 = tpu.memref_squeeze %dma_start3A_310 : memref<1x64xi32, #tpu.memory_space<vmem>> -> memref<64xi32, #tpu.memory_space<vmem>>
          %dma_start3A_312 = arith.constant 0 : i32
          %dma_start3A_313 = arith.constant 0 : i32
          %dma_start3A_314 = tpu.memref_slice %arg25[%dma_start3A_312, %dma_start3A_313] : memref<10112x16xf32, #tpu.memory_space<vmem_shared>> -> memref<10112x16xf32, #tpu.memory_space<vmem_shared>>
          tpu.enqueue_indirect_dma source(%arg23 : memref<64x16xf32, #tpu.memory_space<vmem>>) target(%dma_start3A_314 : memref<10112x16xf32, #tpu.memory_space<vmem_shared>>) offsets(%dma_start3A_311 : memref<64xi32, #tpu.memory_space<vmem>>) semaphore(%arg42 : memref<!tpu.dma_semaphore, #tpu.memory_space<semaphore_mem>>) {add = true}
          %add3A_315 = arith.constant 3 : i32
          %add3A_316 = arith.addi %add3A_133, %add3A_315 : i32
          %dma_start3A_317 = arith.constant 0 : i32
          %dma_start3A_318 = tpu.memref_slice %arg14[%add3A_316, %dma_start3A_317] : memref<160x64xi32, #tpu.memory_space<vmem>> -> memref<1x64xi32, #tpu.memory_space<vmem>>
          %dma_start3A_319 = tpu.memref_squeeze %dma_start3A_318 : memref<1x64xi32, #tpu.memory_space<vmem>> -> memref<64xi32, #tpu.memory_space<vmem>>
          %dma_start3A_320 = arith.constant 0 : i32
          %dma_start3A_321 = arith.constant 0 : i32
          %dma_start3A_322 = tpu.memref_slice %arg25[%dma_start3A_320, %dma_start3A_321] : memref<10112x16xf32, #tpu.memory_space<vmem_shared>> -> memref<10112x16xf32, #tpu.memory_space<vmem_shared>>
          tpu.enqueue_indirect_dma source(%arg23 : memref<64x16xf32, #tpu.memory_space<vmem>>) target(%dma_start3A_322 : memref<10112x16xf32, #tpu.memory_space<vmem_shared>>) offsets(%dma_start3A_319 : memref<64xi32, #tpu.memory_space<vmem>>) semaphore(%arg42 : memref<!tpu.dma_semaphore, #tpu.memory_space<semaphore_mem>>) {add = true}
        } else {
        }
        %add3A_195 = arith.constant 8 : i32
        %add3A_196 = arith.addi %mul3A_73, %add3A_195 : i32
        %dma_wait3A_197 = arith.constant 0 : i32
        %dma_wait3A_198 = arith.constant 0 : i32
        %dma_wait3A_199 = tpu.memref_slice %arg3[%dma_wait3A_197, %dma_wait3A_198] : memref<10000x128xbf16, #tpu.memory_space<hbm>> -> memref<64x128xbf16, #tpu.memory_space<hbm>>
        %dma_wait3A_200 = arith.constant 0 : i32
        %dma_wait3A_201 = arith.constant 0 : i32
        %dma_wait3A_202 = tpu.memref_slice %arg3[%dma_wait3A_200, %dma_wait3A_201] : memref<10000x128xbf16, #tpu.memory_space<hbm>> -> memref<64x128xbf16, #tpu.memory_space<hbm>>
        tpu.wait_dma2 semaphore(%arg34 : memref<!tpu.dma_semaphore, #tpu.memory_space<semaphore_mem>>) src(%dma_wait3A_202 : memref<64x128xbf16, #tpu.memory_space<hbm>>) dst(%arg15 : memref<64x128xbf16, #tpu.memory_space<vmem>>)
        %lt3A = arith.constant 19 : i32
        %lt3A_203 = arith.cmpi slt, %scan3A_69, %lt3A : i32
        %convert_element_type3A_204 = arith.extui %lt3A_203 : i1 to i32
        %cond3A_205 = arith.constant 0 : i32
        %cond3A_206 = arith.cmpi ne, %convert_element_type3A_204, %cond3A_205 : i32
        scf.if %cond3A_206 {
          %add3A_291 = arith.constant 0 : i32
          %add3A_292 = arith.addi %add3A_196, %add3A_291 : i32
          %dma_start3A_293 = arith.constant 0 : i32
          %dma_start3A_294 = tpu.memref_slice %arg13[%add3A_292, %dma_start3A_293] : memref<160x64xi32, #tpu.memory_space<vmem>> -> memref<1x64xi32, #tpu.memory_space<vmem>>
          %dma_start3A_295 = tpu.memref_squeeze %dma_start3A_294 : memref<1x64xi32, #tpu.memory_space<vmem>> -> memref<64xi32, #tpu.memory_space<vmem>>
          %dma_start3A_296 = arith.constant 0 : i32
          %dma_start3A_297 = arith.constant 0 : i32
          %dma_start3A_298 = tpu.memref_slice %arg3[%dma_start3A_296, %dma_start3A_297] : memref<10000x128xbf16, #tpu.memory_space<hbm>> -> memref<10000x128xbf16, #tpu.memory_space<hbm>>
          tpu.enqueue_indirect_dma source(%dma_start3A_298 : memref<10000x128xbf16, #tpu.memory_space<hbm>>) target(%arg15 : memref<64x128xbf16, #tpu.memory_space<vmem>>) offsets(%dma_start3A_295 : memref<64xi32, #tpu.memory_space<vmem>>) semaphore(%arg26 : memref<!tpu.dma_semaphore, #tpu.memory_space<semaphore_mem>>)
        } else {
        }
        %dma_wait3A_207 = arith.constant 0 : i32
        %dma_wait3A_208 = arith.constant 0 : i32
        %dma_wait3A_209 = tpu.memref_slice %arg3[%dma_wait3A_207, %dma_wait3A_208] : memref<10000x128xbf16, #tpu.memory_space<hbm>> -> memref<64x128xbf16, #tpu.memory_space<hbm>>
        %dma_wait3A_210 = arith.constant 0 : i32
        %dma_wait3A_211 = arith.constant 0 : i32
        %dma_wait3A_212 = tpu.memref_slice %arg3[%dma_wait3A_210, %dma_wait3A_211] : memref<10000x128xbf16, #tpu.memory_space<hbm>> -> memref<64x128xbf16, #tpu.memory_space<hbm>>
        tpu.wait_dma2 semaphore(%arg35 : memref<!tpu.dma_semaphore, #tpu.memory_space<semaphore_mem>>) src(%dma_wait3A_212 : memref<64x128xbf16, #tpu.memory_space<hbm>>) dst(%arg16 : memref<64x128xbf16, #tpu.memory_space<vmem>>)
        %lt3A_213 = arith.constant 19 : i32
        %lt3A_214 = arith.cmpi slt, %scan3A_69, %lt3A_213 : i32
        %convert_element_type3A_215 = arith.extui %lt3A_214 : i1 to i32
        %cond3A_216 = arith.constant 0 : i32
        %cond3A_217 = arith.cmpi ne, %convert_element_type3A_215, %cond3A_216 : i32
        scf.if %cond3A_217 {
          %add3A_291 = arith.constant 1 : i32
          %add3A_292 = arith.addi %add3A_196, %add3A_291 : i32
          %dma_start3A_293 = arith.constant 0 : i32
          %dma_start3A_294 = tpu.memref_slice %arg13[%add3A_292, %dma_start3A_293] : memref<160x64xi32, #tpu.memory_space<vmem>> -> memref<1x64xi32, #tpu.memory_space<vmem>>
          %dma_start3A_295 = tpu.memref_squeeze %dma_start3A_294 : memref<1x64xi32, #tpu.memory_space<vmem>> -> memref<64xi32, #tpu.memory_space<vmem>>
          %dma_start3A_296 = arith.constant 0 : i32
          %dma_start3A_297 = arith.constant 0 : i32
          %dma_start3A_298 = tpu.memref_slice %arg3[%dma_start3A_296, %dma_start3A_297] : memref<10000x128xbf16, #tpu.memory_space<hbm>> -> memref<10000x128xbf16, #tpu.memory_space<hbm>>
          tpu.enqueue_indirect_dma source(%dma_start3A_298 : memref<10000x128xbf16, #tpu.memory_space<hbm>>) target(%arg16 : memref<64x128xbf16, #tpu.memory_space<vmem>>) offsets(%dma_start3A_295 : memref<64xi32, #tpu.memory_space<vmem>>) semaphore(%arg27 : memref<!tpu.dma_semaphore, #tpu.memory_space<semaphore_mem>>)
        } else {
        }
        %dma_wait3A_218 = arith.constant 0 : i32
        %dma_wait3A_219 = arith.constant 0 : i32
        %dma_wait3A_220 = tpu.memref_slice %arg3[%dma_wait3A_218, %dma_wait3A_219] : memref<10000x128xbf16, #tpu.memory_space<hbm>> -> memref<64x128xbf16, #tpu.memory_space<hbm>>
        %dma_wait3A_221 = arith.constant 0 : i32
        %dma_wait3A_222 = arith.constant 0 : i32
        %dma_wait3A_223 = tpu.memref_slice %arg3[%dma_wait3A_221, %dma_wait3A_222] : memref<10000x128xbf16, #tpu.memory_space<hbm>> -> memref<64x128xbf16, #tpu.memory_space<hbm>>
        tpu.wait_dma2 semaphore(%arg36 : memref<!tpu.dma_semaphore, #tpu.memory_space<semaphore_mem>>) src(%dma_wait3A_223 : memref<64x128xbf16, #tpu.memory_space<hbm>>) dst(%arg17 : memref<64x128xbf16, #tpu.memory_space<vmem>>)
        %lt3A_224 = arith.constant 19 : i32
        %lt3A_225 = arith.cmpi slt, %scan3A_69, %lt3A_224 : i32
        %convert_element_type3A_226 = arith.extui %lt3A_225 : i1 to i32
        %cond3A_227 = arith.constant 0 : i32
        %cond3A_228 = arith.cmpi ne, %convert_element_type3A_226, %cond3A_227 : i32
        scf.if %cond3A_228 {
          %add3A_291 = arith.constant 2 : i32
          %add3A_292 = arith.addi %add3A_196, %add3A_291 : i32
          %dma_start3A_293 = arith.constant 0 : i32
          %dma_start3A_294 = tpu.memref_slice %arg13[%add3A_292, %dma_start3A_293] : memref<160x64xi32, #tpu.memory_space<vmem>> -> memref<1x64xi32, #tpu.memory_space<vmem>>
          %dma_start3A_295 = tpu.memref_squeeze %dma_start3A_294 : memref<1x64xi32, #tpu.memory_space<vmem>> -> memref<64xi32, #tpu.memory_space<vmem>>
          %dma_start3A_296 = arith.constant 0 : i32
          %dma_start3A_297 = arith.constant 0 : i32
          %dma_start3A_298 = tpu.memref_slice %arg3[%dma_start3A_296, %dma_start3A_297] : memref<10000x128xbf16, #tpu.memory_space<hbm>> -> memref<10000x128xbf16, #tpu.memory_space<hbm>>
          tpu.enqueue_indirect_dma source(%dma_start3A_298 : memref<10000x128xbf16, #tpu.memory_space<hbm>>) target(%arg17 : memref<64x128xbf16, #tpu.memory_space<vmem>>) offsets(%dma_start3A_295 : memref<64xi32, #tpu.memory_space<vmem>>) semaphore(%arg28 : memref<!tpu.dma_semaphore, #tpu.memory_space<semaphore_mem>>)
        } else {
        }
        %dma_wait3A_229 = arith.constant 0 : i32
        %dma_wait3A_230 = arith.constant 0 : i32
        %dma_wait3A_231 = tpu.memref_slice %arg3[%dma_wait3A_229, %dma_wait3A_230] : memref<10000x128xbf16, #tpu.memory_space<hbm>> -> memref<64x128xbf16, #tpu.memory_space<hbm>>
        %dma_wait3A_232 = arith.constant 0 : i32
        %dma_wait3A_233 = arith.constant 0 : i32
        %dma_wait3A_234 = tpu.memref_slice %arg3[%dma_wait3A_232, %dma_wait3A_233] : memref<10000x128xbf16, #tpu.memory_space<hbm>> -> memref<64x128xbf16, #tpu.memory_space<hbm>>
        tpu.wait_dma2 semaphore(%arg37 : memref<!tpu.dma_semaphore, #tpu.memory_space<semaphore_mem>>) src(%dma_wait3A_234 : memref<64x128xbf16, #tpu.memory_space<hbm>>) dst(%arg18 : memref<64x128xbf16, #tpu.memory_space<vmem>>)
        %lt3A_235 = arith.constant 19 : i32
        %lt3A_236 = arith.cmpi slt, %scan3A_69, %lt3A_235 : i32
        %convert_element_type3A_237 = arith.extui %lt3A_236 : i1 to i32
        %cond3A_238 = arith.constant 0 : i32
        %cond3A_239 = arith.cmpi ne, %convert_element_type3A_237, %cond3A_238 : i32
        scf.if %cond3A_239 {
          %add3A_291 = arith.constant 3 : i32
          %add3A_292 = arith.addi %add3A_196, %add3A_291 : i32
          %dma_start3A_293 = arith.constant 0 : i32
          %dma_start3A_294 = tpu.memref_slice %arg13[%add3A_292, %dma_start3A_293] : memref<160x64xi32, #tpu.memory_space<vmem>> -> memref<1x64xi32, #tpu.memory_space<vmem>>
          %dma_start3A_295 = tpu.memref_squeeze %dma_start3A_294 : memref<1x64xi32, #tpu.memory_space<vmem>> -> memref<64xi32, #tpu.memory_space<vmem>>
          %dma_start3A_296 = arith.constant 0 : i32
          %dma_start3A_297 = arith.constant 0 : i32
          %dma_start3A_298 = tpu.memref_slice %arg3[%dma_start3A_296, %dma_start3A_297] : memref<10000x128xbf16, #tpu.memory_space<hbm>> -> memref<10000x128xbf16, #tpu.memory_space<hbm>>
          tpu.enqueue_indirect_dma source(%dma_start3A_298 : memref<10000x128xbf16, #tpu.memory_space<hbm>>) target(%arg18 : memref<64x128xbf16, #tpu.memory_space<vmem>>) offsets(%dma_start3A_295 : memref<64xi32, #tpu.memory_space<vmem>>) semaphore(%arg29 : memref<!tpu.dma_semaphore, #tpu.memory_space<semaphore_mem>>)
        } else {
        }
        %add3A_240 = arith.constant 12 : i32
        %add3A_241 = arith.addi %mul3A_73, %add3A_240 : i32
        %dma_wait3A_242 = arith.constant 0 : i32
        %dma_wait3A_243 = arith.constant 0 : i32
        %dma_wait3A_244 = tpu.memref_slice %arg3[%dma_wait3A_242, %dma_wait3A_243] : memref<10000x128xbf16, #tpu.memory_space<hbm>> -> memref<64x128xbf16, #tpu.memory_space<hbm>>
        %dma_wait3A_245 = arith.constant 0 : i32
        %dma_wait3A_246 = arith.constant 0 : i32
        %dma_wait3A_247 = tpu.memref_slice %arg3[%dma_wait3A_245, %dma_wait3A_246] : memref<10000x128xbf16, #tpu.memory_space<hbm>> -> memref<64x128xbf16, #tpu.memory_space<hbm>>
        tpu.wait_dma2 semaphore(%arg38 : memref<!tpu.dma_semaphore, #tpu.memory_space<semaphore_mem>>) src(%dma_wait3A_247 : memref<64x128xbf16, #tpu.memory_space<hbm>>) dst(%arg19 : memref<64x128xbf16, #tpu.memory_space<vmem>>)
        %lt3A_248 = arith.constant 19 : i32
        %lt3A_249 = arith.cmpi slt, %scan3A_69, %lt3A_248 : i32
        %convert_element_type3A_250 = arith.extui %lt3A_249 : i1 to i32
        %cond3A_251 = arith.constant 0 : i32
        %cond3A_252 = arith.cmpi ne, %convert_element_type3A_250, %cond3A_251 : i32
        scf.if %cond3A_252 {
          %add3A_291 = arith.constant 0 : i32
          %add3A_292 = arith.addi %add3A_241, %add3A_291 : i32
          %dma_start3A_293 = arith.constant 0 : i32
          %dma_start3A_294 = tpu.memref_slice %arg13[%add3A_292, %dma_start3A_293] : memref<160x64xi32, #tpu.memory_space<vmem>> -> memref<1x64xi32, #tpu.memory_space<vmem>>
          %dma_start3A_295 = tpu.memref_squeeze %dma_start3A_294 : memref<1x64xi32, #tpu.memory_space<vmem>> -> memref<64xi32, #tpu.memory_space<vmem>>
          %dma_start3A_296 = arith.constant 0 : i32
          %dma_start3A_297 = arith.constant 0 : i32
          %dma_start3A_298 = tpu.memref_slice %arg3[%dma_start3A_296, %dma_start3A_297] : memref<10000x128xbf16, #tpu.memory_space<hbm>> -> memref<10000x128xbf16, #tpu.memory_space<hbm>>
          tpu.enqueue_indirect_dma source(%dma_start3A_298 : memref<10000x128xbf16, #tpu.memory_space<hbm>>) target(%arg19 : memref<64x128xbf16, #tpu.memory_space<vmem>>) offsets(%dma_start3A_295 : memref<64xi32, #tpu.memory_space<vmem>>) semaphore(%arg30 : memref<!tpu.dma_semaphore, #tpu.memory_space<semaphore_mem>>)
        } else {
        }
        %dma_wait3A_253 = arith.constant 0 : i32
        %dma_wait3A_254 = arith.constant 0 : i32
        %dma_wait3A_255 = tpu.memref_slice %arg3[%dma_wait3A_253, %dma_wait3A_254] : memref<10000x128xbf16, #tpu.memory_space<hbm>> -> memref<64x128xbf16, #tpu.memory_space<hbm>>
        %dma_wait3A_256 = arith.constant 0 : i32
        %dma_wait3A_257 = arith.constant 0 : i32
        %dma_wait3A_258 = tpu.memref_slice %arg3[%dma_wait3A_256, %dma_wait3A_257] : memref<10000x128xbf16, #tpu.memory_space<hbm>> -> memref<64x128xbf16, #tpu.memory_space<hbm>>
        tpu.wait_dma2 semaphore(%arg39 : memref<!tpu.dma_semaphore, #tpu.memory_space<semaphore_mem>>) src(%dma_wait3A_258 : memref<64x128xbf16, #tpu.memory_space<hbm>>) dst(%arg20 : memref<64x128xbf16, #tpu.memory_space<vmem>>)
        %lt3A_259 = arith.constant 19 : i32
        %lt3A_260 = arith.cmpi slt, %scan3A_69, %lt3A_259 : i32
        %convert_element_type3A_261 = arith.extui %lt3A_260 : i1 to i32
        %cond3A_262 = arith.constant 0 : i32
        %cond3A_263 = arith.cmpi ne, %convert_element_type3A_261, %cond3A_262 : i32
        scf.if %cond3A_263 {
          %add3A_291 = arith.constant 1 : i32
          %add3A_292 = arith.addi %add3A_241, %add3A_291 : i32
          %dma_start3A_293 = arith.constant 0 : i32
          %dma_start3A_294 = tpu.memref_slice %arg13[%add3A_292, %dma_start3A_293] : memref<160x64xi32, #tpu.memory_space<vmem>> -> memref<1x64xi32, #tpu.memory_space<vmem>>
          %dma_start3A_295 = tpu.memref_squeeze %dma_start3A_294 : memref<1x64xi32, #tpu.memory_space<vmem>> -> memref<64xi32, #tpu.memory_space<vmem>>
          %dma_start3A_296 = arith.constant 0 : i32
          %dma_start3A_297 = arith.constant 0 : i32
          %dma_start3A_298 = tpu.memref_slice %arg3[%dma_start3A_296, %dma_start3A_297] : memref<10000x128xbf16, #tpu.memory_space<hbm>> -> memref<10000x128xbf16, #tpu.memory_space<hbm>>
          tpu.enqueue_indirect_dma source(%dma_start3A_298 : memref<10000x128xbf16, #tpu.memory_space<hbm>>) target(%arg20 : memref<64x128xbf16, #tpu.memory_space<vmem>>) offsets(%dma_start3A_295 : memref<64xi32, #tpu.memory_space<vmem>>) semaphore(%arg31 : memref<!tpu.dma_semaphore, #tpu.memory_space<semaphore_mem>>)
        } else {
        }
        %dma_wait3A_264 = arith.constant 0 : i32
        %dma_wait3A_265 = arith.constant 0 : i32
        %dma_wait3A_266 = tpu.memref_slice %arg3[%dma_wait3A_264, %dma_wait3A_265] : memref<10000x128xbf16, #tpu.memory_space<hbm>> -> memref<64x128xbf16, #tpu.memory_space<hbm>>
        %dma_wait3A_267 = arith.constant 0 : i32
        %dma_wait3A_268 = arith.constant 0 : i32
        %dma_wait3A_269 = tpu.memref_slice %arg3[%dma_wait3A_267, %dma_wait3A_268] : memref<10000x128xbf16, #tpu.memory_space<hbm>> -> memref<64x128xbf16, #tpu.memory_space<hbm>>
        tpu.wait_dma2 semaphore(%arg40 : memref<!tpu.dma_semaphore, #tpu.memory_space<semaphore_mem>>) src(%dma_wait3A_269 : memref<64x128xbf16, #tpu.memory_space<hbm>>) dst(%arg21 : memref<64x128xbf16, #tpu.memory_space<vmem>>)
        %lt3A_270 = arith.constant 19 : i32
        %lt3A_271 = arith.cmpi slt, %scan3A_69, %lt3A_270 : i32
        %convert_element_type3A_272 = arith.extui %lt3A_271 : i1 to i32
        %cond3A_273 = arith.constant 0 : i32
        %cond3A_274 = arith.cmpi ne, %convert_element_type3A_272, %cond3A_273 : i32
        scf.if %cond3A_274 {
          %add3A_291 = arith.constant 2 : i32
          %add3A_292 = arith.addi %add3A_241, %add3A_291 : i32
          %dma_start3A_293 = arith.constant 0 : i32
          %dma_start3A_294 = tpu.memref_slice %arg13[%add3A_292, %dma_start3A_293] : memref<160x64xi32, #tpu.memory_space<vmem>> -> memref<1x64xi32, #tpu.memory_space<vmem>>
          %dma_start3A_295 = tpu.memref_squeeze %dma_start3A_294 : memref<1x64xi32, #tpu.memory_space<vmem>> -> memref<64xi32, #tpu.memory_space<vmem>>
          %dma_start3A_296 = arith.constant 0 : i32
          %dma_start3A_297 = arith.constant 0 : i32
          %dma_start3A_298 = tpu.memref_slice %arg3[%dma_start3A_296, %dma_start3A_297] : memref<10000x128xbf16, #tpu.memory_space<hbm>> -> memref<10000x128xbf16, #tpu.memory_space<hbm>>
          tpu.enqueue_indirect_dma source(%dma_start3A_298 : memref<10000x128xbf16, #tpu.memory_space<hbm>>) target(%arg21 : memref<64x128xbf16, #tpu.memory_space<vmem>>) offsets(%dma_start3A_295 : memref<64xi32, #tpu.memory_space<vmem>>) semaphore(%arg32 : memref<!tpu.dma_semaphore, #tpu.memory_space<semaphore_mem>>)
        } else {
        }
        %dma_wait3A_275 = arith.constant 0 : i32
        %dma_wait3A_276 = arith.constant 0 : i32
        %dma_wait3A_277 = tpu.memref_slice %arg3[%dma_wait3A_275, %dma_wait3A_276] : memref<10000x128xbf16, #tpu.memory_space<hbm>> -> memref<64x128xbf16, #tpu.memory_space<hbm>>
        %dma_wait3A_278 = arith.constant 0 : i32
        %dma_wait3A_279 = arith.constant 0 : i32
        %dma_wait3A_280 = tpu.memref_slice %arg3[%dma_wait3A_278, %dma_wait3A_279] : memref<10000x128xbf16, #tpu.memory_space<hbm>> -> memref<64x128xbf16, #tpu.memory_space<hbm>>
        tpu.wait_dma2 semaphore(%arg41 : memref<!tpu.dma_semaphore, #tpu.memory_space<semaphore_mem>>) src(%dma_wait3A_280 : memref<64x128xbf16, #tpu.memory_space<hbm>>) dst(%arg22 : memref<64x128xbf16, #tpu.memory_space<vmem>>)
        %lt3A_281 = arith.constant 19 : i32
        %lt3A_282 = arith.cmpi slt, %scan3A_69, %lt3A_281 : i32
        %convert_element_type3A_283 = arith.extui %lt3A_282 : i1 to i32
        %cond3A_284 = arith.constant 0 : i32
        %cond3A_285 = arith.cmpi ne, %convert_element_type3A_283, %cond3A_284 : i32
        scf.if %cond3A_285 {
          %add3A_291 = arith.constant 3 : i32
          %add3A_292 = arith.addi %add3A_241, %add3A_291 : i32
          %dma_start3A_293 = arith.constant 0 : i32
          %dma_start3A_294 = tpu.memref_slice %arg13[%add3A_292, %dma_start3A_293] : memref<160x64xi32, #tpu.memory_space<vmem>> -> memref<1x64xi32, #tpu.memory_space<vmem>>
          %dma_start3A_295 = tpu.memref_squeeze %dma_start3A_294 : memref<1x64xi32, #tpu.memory_space<vmem>> -> memref<64xi32, #tpu.memory_space<vmem>>
          %dma_start3A_296 = arith.constant 0 : i32
          %dma_start3A_297 = arith.constant 0 : i32
          %dma_start3A_298 = tpu.memref_slice %arg3[%dma_start3A_296, %dma_start3A_297] : memref<10000x128xbf16, #tpu.memory_space<hbm>> -> memref<10000x128xbf16, #tpu.memory_space<hbm>>
          tpu.enqueue_indirect_dma source(%dma_start3A_298 : memref<10000x128xbf16, #tpu.memory_space<hbm>>) target(%arg22 : memref<64x128xbf16, #tpu.memory_space<vmem>>) offsets(%dma_start3A_295 : memref<64xi32, #tpu.memory_space<vmem>>) semaphore(%arg33 : memref<!tpu.dma_semaphore, #tpu.memory_space<semaphore_mem>>)
        } else {
        }
        %ge3A_286 = arith.constant 10 : i32
        %ge3A_287 = arith.cmpi sge, %scan3A_69, %ge3A_286 : i32
        %convert_element_type3A_288 = arith.extui %ge3A_287 : i1 to i32
        %cond3A_289 = arith.constant 0 : i32
        %cond3A_290 = arith.cmpi ne, %convert_element_type3A_288, %cond3A_289 : i32
        scf.if %cond3A_290 {
          tpu.wait_dma2 semaphore(%arg42 : memref<!tpu.dma_semaphore, #tpu.memory_space<semaphore_mem>>) src(%arg8 : memref<64x16xf32, #tpu.memory_space<hbm>>) dst(%arg23 : memref<64x16xf32, #tpu.memory_space<vmem>>)
          tpu.wait_dma2 semaphore(%arg42 : memref<!tpu.dma_semaphore, #tpu.memory_space<semaphore_mem>>) src(%arg8 : memref<64x16xf32, #tpu.memory_space<hbm>>) dst(%arg23 : memref<64x16xf32, #tpu.memory_space<vmem>>)
          tpu.wait_dma2 semaphore(%arg42 : memref<!tpu.dma_semaphore, #tpu.memory_space<semaphore_mem>>) src(%arg8 : memref<64x16xf32, #tpu.memory_space<hbm>>) dst(%arg23 : memref<64x16xf32, #tpu.memory_space<vmem>>)
          tpu.wait_dma2 semaphore(%arg42 : memref<!tpu.dma_semaphore, #tpu.memory_space<semaphore_mem>>) src(%arg8 : memref<64x16xf32, #tpu.memory_space<hbm>>) dst(%arg23 : memref<64x16xf32, #tpu.memory_space<vmem>>)
          tpu.wait_dma2 semaphore(%arg42 : memref<!tpu.dma_semaphore, #tpu.memory_space<semaphore_mem>>) src(%arg8 : memref<64x16xf32, #tpu.memory_space<hbm>>) dst(%arg23 : memref<64x16xf32, #tpu.memory_space<vmem>>)
          tpu.wait_dma2 semaphore(%arg42 : memref<!tpu.dma_semaphore, #tpu.memory_space<semaphore_mem>>) src(%arg8 : memref<64x16xf32, #tpu.memory_space<hbm>>) dst(%arg23 : memref<64x16xf32, #tpu.memory_space<vmem>>)
          tpu.wait_dma2 semaphore(%arg42 : memref<!tpu.dma_semaphore, #tpu.memory_space<semaphore_mem>>) src(%arg8 : memref<64x16xf32, #tpu.memory_space<hbm>>) dst(%arg23 : memref<64x16xf32, #tpu.memory_space<vmem>>)
          tpu.wait_dma2 semaphore(%arg42 : memref<!tpu.dma_semaphore, #tpu.memory_space<semaphore_mem>>) src(%arg8 : memref<64x16xf32, #tpu.memory_space<hbm>>) dst(%arg23 : memref<64x16xf32, #tpu.memory_space<vmem>>)
        } else {
        }
      }
      %scan3A_67 = arith.constant 20 : i32
      %barrier3A_68 = arith.constant 0 : index
      tpu.barrier barrier_id(%barrier3A_68)
      "tpu.region"() ({
        %run_scoped3A = tpu.sem_alloc : memref<!tpu.dma_semaphore, #tpu.memory_space<semaphore_mem>>
        %dma_start3A_69 = arith.constant 0 : i32
        %dma_start3A_70 = tpu.memref_slice %arg10[%mul3A_0, %dma_start3A_69] : memref<10112x128xbf16, #tpu.memory_space<hbm>> -> memref<632x128xbf16, #tpu.memory_space<hbm>>
        %dma_start3A_71 = arith.constant 0 : i32
        %dma_start3A_72 = tpu.memref_slice %arg24[%mul3A_0, %dma_start3A_71] : memref<10112x128xbf16, #tpu.memory_space<vmem_shared>> -> memref<632x128xbf16, #tpu.memory_space<vmem_shared>>
        tpu.enqueue_dma source(%dma_start3A_72 : memref<632x128xbf16, #tpu.memory_space<vmem_shared>>) target(%dma_start3A_70 : memref<632x128xbf16, #tpu.memory_space<hbm>>) target_semaphore(%run_scoped3A : memref<!tpu.dma_semaphore, #tpu.memory_space<semaphore_mem>>)
        %dma_wait3A = arith.constant 0 : i32
        %dma_wait3A_73 = tpu.memref_slice %arg10[%mul3A_0, %dma_wait3A] : memref<10112x128xbf16, #tpu.memory_space<hbm>> -> memref<632x128xbf16, #tpu.memory_space<hbm>>
        %dma_wait3A_74 = arith.constant 0 : i32
        %dma_wait3A_75 = tpu.memref_slice %arg24[%mul3A_0, %dma_wait3A_74] : memref<10112x128xbf16, #tpu.memory_space<vmem_shared>> -> memref<632x128xbf16, #tpu.memory_space<vmem_shared>>
        tpu.wait_dma2 semaphore(%run_scoped3A : memref<!tpu.dma_semaphore, #tpu.memory_space<semaphore_mem>>) src(%dma_wait3A_75 : memref<632x128xbf16, #tpu.memory_space<vmem_shared>>) dst(%dma_wait3A_73 : memref<632x128xbf16, #tpu.memory_space<hbm>>)
        tpu.yield
      }) : () -> ()
      "tpu.region"() ({
        %run_scoped3A = tpu.sem_alloc : memref<!tpu.dma_semaphore, #tpu.memory_space<semaphore_mem>>
        %dma_start3A_69 = arith.constant 0 : i32
        %dma_start3A_70 = tpu.memref_slice %arg12[%mul3A_0, %dma_start3A_69] : memref<10112x16xf32, #tpu.memory_space<hbm>> -> memref<632x16xf32, #tpu.memory_space<hbm>>
        %dma_start3A_71 = arith.constant 0 : i32
        %dma_start3A_72 = tpu.memref_slice %arg25[%mul3A_0, %dma_start3A_71] : memref<10112x16xf32, #tpu.memory_space<vmem_shared>> -> memref<632x16xf32, #tpu.memory_space<vmem_shared>>
        tpu.enqueue_dma source(%dma_start3A_72 : memref<632x16xf32, #tpu.memory_space<vmem_shared>>) target(%dma_start3A_70 : memref<632x16xf32, #tpu.memory_space<hbm>>) target_semaphore(%run_scoped3A : memref<!tpu.dma_semaphore, #tpu.memory_space<semaphore_mem>>)
        %dma_wait3A = arith.constant 0 : i32
        %dma_wait3A_73 = tpu.memref_slice %arg12[%mul3A_0, %dma_wait3A] : memref<10112x16xf32, #tpu.memory_space<hbm>> -> memref<632x16xf32, #tpu.memory_space<hbm>>
        %dma_wait3A_74 = arith.constant 0 : i32
        %dma_wait3A_75 = tpu.memref_slice %arg25[%mul3A_0, %dma_wait3A_74] : memref<10112x16xf32, #tpu.memory_space<vmem_shared>> -> memref<632x16xf32, #tpu.memory_space<vmem_shared>>
        tpu.wait_dma2 semaphore(%run_scoped3A : memref<!tpu.dma_semaphore, #tpu.memory_space<semaphore_mem>>) src(%dma_wait3A_75 : memref<632x16xf32, #tpu.memory_space<vmem_shared>>) dst(%dma_wait3A_73 : memref<632x16xf32, #tpu.memory_space<hbm>>)
        tpu.yield
      }) : () -> ()
    } else {
    }
    return
  }
}

module attributes {stable_mosaic.version = 14 : i64} {
  func.func @_logmap_body(%arg0: i32, %arg1: memref<2000x256xf32, #tpu.memory_space<vmem>>, %arg2: memref<2000x128xbf16, #tpu.memory_space<vmem>>, %arg3: memref<2000x128xbf16, #tpu.memory_space<vmem>>) attributes {dimension_semantics = [#tpu.dimension_semantics<arbitrary>], iteration_bounds = array<i64: 5>, scalar_prefetch = 0 : i64, scratch_operands = 0 : i64, tpu.core_type = #tpu.core_type<tc>, window_params = [{transform_indices = @transform_0, window_bounds = array<i64: 2000, 256>}, {transform_indices = @transform_1, window_bounds = array<i64: 2000, 128>}, {transform_indices = @transform_2, window_bounds = array<i64: 2000, 128>}]} {
    %get3A = arith.constant 0 : index
    %get3A_0 = arith.constant 0 : index
    %get3A_1 = vector.load %arg1[%get3A, %get3A_0] : memref<2000x256xf32, #tpu.memory_space<vmem>>, vector<2000x256xf32>
    %mul3A = arith.mulf %get3A_1, %get3A_1 : vector<2000x256xf32>
    %reduce_sum3A = arith.constant dense<0.000000e+00> : vector<2000xf32>
    %reduce_sum3A_2 = vector.multi_reduction <add>, %mul3A, %reduce_sum3A [1] : vector<2000x256xf32> to vector<2000xf32>
    %broadcast_in_dim3A = vector.shape_cast %reduce_sum3A_2 : vector<2000xf32> to vector<2000x1xf32>
    %sqrt3A = math.sqrt %broadcast_in_dim3A : vector<2000x1xf32>
    %max3A = arith.constant 1.000000e-07 : f32
    %max3A_3 = vector.broadcast %max3A : f32 to vector<2000x1xf32>
    %max3A_4 = arith.maximumf %sqrt3A, %max3A_3 : vector<2000x1xf32>
    %min3A = arith.constant 0.999989986 : f32
    %min3A_5 = vector.broadcast %min3A : f32 to vector<2000x1xf32>
    %min3A_6 = arith.minimumf %max3A_4, %min3A_5 : vector<2000x1xf32>
    %add3A = arith.constant 1.000000e+00 : f32
    %add3A_7 = vector.broadcast %add3A : f32 to vector<2000x1xf32>
    %add3A_8 = arith.addf %add3A_7, %min3A_6 : vector<2000x1xf32>
    %sub3A = arith.constant 1.000000e+00 : f32
    %sub3A_9 = vector.broadcast %sub3A : f32 to vector<2000x1xf32>
    %sub3A_10 = arith.subf %sub3A_9, %min3A_6 : vector<2000x1xf32>
    %div3A = arith.divf %add3A_8, %sub3A_10 : vector<2000x1xf32>
    %log3A = math.log %div3A : vector<2000x1xf32>
    %mul3A_11 = arith.constant 5.000000e-01 : f32
    %mul3A_12 = vector.broadcast %mul3A_11 : f32 to vector<2000x1xf32>
    %mul3A_13 = arith.mulf %mul3A_12, %log3A : vector<2000x1xf32>
    %div3A_14 = arith.divf %mul3A_13, %max3A_4 : vector<2000x1xf32>
    %mul3A_15 = vector.broadcast %div3A_14 : vector<2000x1xf32> to vector<2000x256xf32>
    %mul3A_16 = arith.mulf %get3A_1, %mul3A_15 : vector<2000x256xf32>
    %slice3A = vector.extract_strided_slice %mul3A_16 {offsets = [0, 0], sizes = [2000, 128], strides = [1, 1]} : vector<2000x256xf32> to vector<2000x128xf32>
    %convert_element_type3A = arith.truncf %slice3A : vector<2000x128xf32> to vector<2000x128xbf16>
    %swap3A = arith.constant 0 : index
    %swap3A_17 = arith.constant 0 : index
    %swap3A_18 = vector.load %arg2[%swap3A, %swap3A_17] : memref<2000x128xbf16, #tpu.memory_space<vmem>>, vector<2000x128xbf16>
    tpu.vector_store %arg2[%swap3A, %swap3A_17], %convert_element_type3A {strides = array<i32>} : memref<2000x128xbf16, #tpu.memory_space<vmem>>, vector<2000x128xbf16>,
    %slice3A_19 = vector.extract_strided_slice %mul3A_16 {offsets = [0, 128], sizes = [2000, 128], strides = [1, 1]} : vector<2000x256xf32> to vector<2000x128xf32>
    %convert_element_type3A_20 = arith.truncf %slice3A_19 : vector<2000x128xf32> to vector<2000x128xbf16>
    %swap3A_21 = arith.constant 0 : index
    %swap3A_22 = arith.constant 0 : index
    %swap3A_23 = vector.load %arg3[%swap3A_21, %swap3A_22] : memref<2000x128xbf16, #tpu.memory_space<vmem>>, vector<2000x128xbf16>
    tpu.vector_store %arg3[%swap3A_21, %swap3A_22], %convert_element_type3A_20 {strides = array<i32>} : memref<2000x128xbf16, #tpu.memory_space<vmem>>, vector<2000x128xbf16>,
    return
  }
  func.func @transform_0(%arg0: i32) -> (i32, i32) {
    %c0_i32 = arith.constant 0 : i32
    %c0_i32_0 = arith.constant 0 : i32
    return %arg0, %c0_i32 : i32, i32
  }
  func.func @transform_1(%arg0: i32) -> (i32, i32) {
    %c0_i32 = arith.constant 0 : i32
    %c0_i32_0 = arith.constant 0 : i32
    return %arg0, %c0_i32 : i32, i32
  }
  func.func @transform_2(%arg0: i32) -> (i32, i32) {
    %c0_i32 = arith.constant 0 : i32
    %c0_i32_0 = arith.constant 0 : i32
    return %arg0, %c0_i32 : i32, i32
  }
}

module attributes {stable_mosaic.version = 14 : i64} {
  func.func @_combine_body(%arg0: i32, %arg1: memref<2000x128xbf16, #tpu.memory_space<vmem>>, %arg2: memref<2000x128xbf16, #tpu.memory_space<vmem>>, %arg3: memref<2000x128xbf16, #tpu.memory_space<vmem>>, %arg4: memref<2000x128xbf16, #tpu.memory_space<vmem>>, %arg5: memref<2000x16xf32, #tpu.memory_space<vmem>>, %arg6: memref<2000x16xf32, #tpu.memory_space<vmem>>, %arg7: memref<256x256xf32, #tpu.memory_space<vmem>>, %arg8: memref<256x256xf32, #tpu.memory_space<vmem>>, %arg9: memref<1x256xf32, #tpu.memory_space<vmem>>, %arg10: memref<2000x256xf32, #tpu.memory_space<vmem>>) attributes {dimension_semantics = [#tpu.dimension_semantics<arbitrary>], iteration_bounds = array<i64: 5>, scalar_prefetch = 0 : i64, scratch_operands = 0 : i64, tpu.core_type = #tpu.core_type<tc>, window_params = [{transform_indices = @transform_0, window_bounds = array<i64: 2000, 128>}, {transform_indices = @transform_1, window_bounds = array<i64: 2000, 128>}, {transform_indices = @transform_2, window_bounds = array<i64: 2000, 128>}, {transform_indices = @transform_3, window_bounds = array<i64: 2000, 128>}, {transform_indices = @transform_4, window_bounds = array<i64: 2000, 16>}, {transform_indices = @transform_5, window_bounds = array<i64: 2000, 16>}, {pipeline_mode = #tpu.pipeline_mode<synchronous>, transform_indices = @transform_6, window_bounds = array<i64: 256, 256>}, {pipeline_mode = #tpu.pipeline_mode<synchronous>, transform_indices = @transform_7, window_bounds = array<i64: 256, 256>}, {pipeline_mode = #tpu.pipeline_mode<synchronous>, transform_indices = @transform_8, window_bounds = array<i64: 1, 256>}, {transform_indices = @transform_9, window_bounds = array<i64: 2000, 256>}]} {
    %get3A = arith.constant 0 : index
    %get3A_0 = arith.constant 0 : index
    %get3A_1 = vector.load %arg5[%get3A, %get3A_0] : memref<2000x16xf32, #tpu.memory_space<vmem>>, vector<2000x1xf32>
    %get3A_2 = arith.constant 0 : index
    %get3A_3 = arith.constant 0 : index
    %get3A_4 = vector.load %arg6[%get3A_2, %get3A_3] : memref<2000x16xf32, #tpu.memory_space<vmem>>, vector<2000x1xf32>
    %add3A = arith.addf %get3A_1, %get3A_4 : vector<2000x1xf32>
    %max3A = arith.constant 1.000000e+00 : f32
    %max3A_5 = vector.broadcast %max3A : f32 to vector<2000x1xf32>
    %max3A_6 = arith.maximumf %add3A, %max3A_5 : vector<2000x1xf32>
    %div3A = arith.constant 1.000000e+00 : f32
    %div3A_7 = vector.broadcast %div3A : f32 to vector<2000x1xf32>
    %div3A_8 = arith.divf %div3A_7, %max3A_6 : vector<2000x1xf32>
    %get3A_9 = arith.constant 0 : index
    %get3A_10 = arith.constant 0 : index
    %get3A_11 = vector.load %arg1[%get3A_9, %get3A_10] : memref<2000x128xbf16, #tpu.memory_space<vmem>>, vector<2000x128xbf16>
    %get3A_12 = arith.constant 0 : index
    %get3A_13 = arith.constant 0 : index
    %get3A_14 = vector.load %arg2[%get3A_12, %get3A_13] : memref<2000x128xbf16, #tpu.memory_space<vmem>>, vector<2000x128xbf16>
    %concatenate3A = tpu.concatenate %get3A_11, %get3A_14 in 1 : vector<2000x128xbf16>, vector<2000x128xbf16> -> vector<2000x256xbf16>
    %convert_element_type3A = arith.extf %concatenate3A : vector<2000x256xbf16> to vector<2000x256xf32>
    %get3A_15 = arith.constant 0 : index
    %get3A_16 = arith.constant 0 : index
    %get3A_17 = vector.load %arg3[%get3A_15, %get3A_16] : memref<2000x128xbf16, #tpu.memory_space<vmem>>, vector<2000x128xbf16>
    %get3A_18 = arith.constant 0 : index
    %get3A_19 = arith.constant 0 : index
    %get3A_20 = vector.load %arg4[%get3A_18, %get3A_19] : memref<2000x128xbf16, #tpu.memory_space<vmem>>, vector<2000x128xbf16>
    %concatenate3A_21 = tpu.concatenate %get3A_17, %get3A_20 in 1 : vector<2000x128xbf16>, vector<2000x128xbf16> -> vector<2000x256xbf16>
    %convert_element_type3A_22 = arith.extf %concatenate3A_21 : vector<2000x256xbf16> to vector<2000x256xf32>
    %get3A_23 = arith.constant 0 : index
    %get3A_24 = arith.constant 0 : index
    %get3A_25 = vector.load %arg7[%get3A_23, %get3A_24] : memref<256x256xf32, #tpu.memory_space<vmem>>, vector<256x256xf32>
    %dot_general3A = arith.constant dense<0.000000e+00> : vector<2000x256xf32>
    %dot_general3A_26 = tpu.matmul %convert_element_type3A, %get3A_25, %dot_general3A {dimension_numbers = #tpu.dot_dimension_numbers<[1], [1], [0], [0], [0, 0, 1, 0], [], []>, transpose_lhs_hint = false} : vector<2000x256xf32>, vector<256x256xf32>, vector<2000x256xf32> -> vector<2000x256xf32>
    %mul3A = vector.broadcast %div3A_8 : vector<2000x1xf32> to vector<2000x256xf32>
    %mul3A_27 = arith.mulf %convert_element_type3A_22, %mul3A : vector<2000x256xf32>
    %get3A_28 = arith.constant 0 : index
    %get3A_29 = arith.constant 0 : index
    %get3A_30 = vector.load %arg8[%get3A_28, %get3A_29] : memref<256x256xf32, #tpu.memory_space<vmem>>, vector<256x256xf32>
    %dot_general3A_31 = arith.constant dense<0.000000e+00> : vector<2000x256xf32>
    %dot_general3A_32 = tpu.matmul %mul3A_27, %get3A_30, %dot_general3A_31 {dimension_numbers = #tpu.dot_dimension_numbers<[1], [1], [0], [0], [0, 0, 1, 0], [], []>, transpose_lhs_hint = false} : vector<2000x256xf32>, vector<256x256xf32>, vector<2000x256xf32> -> vector<2000x256xf32>
    %add3A_33 = arith.addf %dot_general3A_26, %dot_general3A_32 : vector<2000x256xf32>
    %get3A_34 = arith.constant 0 : index
    %get3A_35 = arith.constant 0 : index
    %get3A_36 = vector.load %arg9[%get3A_34, %get3A_35] : memref<1x256xf32, #tpu.memory_space<vmem>>, vector<1x256xf32>
    %add3A_37 = vector.broadcast %get3A_36 : vector<1x256xf32> to vector<2000x256xf32>
    %add3A_38 = arith.addf %add3A_33, %add3A_37 : vector<2000x256xf32>
    %mul3A_39 = arith.mulf %add3A_38, %add3A_38 : vector<2000x256xf32>
    %reduce_sum3A = arith.constant dense<0.000000e+00> : vector<2000xf32>
    %reduce_sum3A_40 = vector.multi_reduction <add>, %mul3A_39, %reduce_sum3A [1] : vector<2000x256xf32> to vector<2000xf32>
    %broadcast_in_dim3A = vector.shape_cast %reduce_sum3A_40 : vector<2000xf32> to vector<2000x1xf32>
    %sqrt3A = math.sqrt %broadcast_in_dim3A : vector<2000x1xf32>
    %max3A_41 = arith.constant 1.000000e-07 : f32
    %max3A_42 = vector.broadcast %max3A_41 : f32 to vector<2000x1xf32>
    %max3A_43 = arith.maximumf %sqrt3A, %max3A_42 : vector<2000x1xf32>
    %tanh3A = math.tanh %max3A_43 : vector<2000x1xf32>
    %mul3A_44 = vector.broadcast %tanh3A : vector<2000x1xf32> to vector<2000x256xf32>
    %mul3A_45 = arith.mulf %mul3A_44, %add3A_38 : vector<2000x256xf32>
    %div3A_46 = vector.broadcast %max3A_43 : vector<2000x1xf32> to vector<2000x256xf32>
    %div3A_47 = arith.divf %mul3A_45, %div3A_46 : vector<2000x256xf32>
    %swap3A = arith.constant 0 : index
    %swap3A_48 = arith.constant 0 : index
    %swap3A_49 = vector.load %arg10[%swap3A, %swap3A_48] : memref<2000x256xf32, #tpu.memory_space<vmem>>, vector<2000x256xf32>
    tpu.vector_store %arg10[%swap3A, %swap3A_48], %div3A_47 {strides = array<i32>} : memref<2000x256xf32, #tpu.memory_space<vmem>>, vector<2000x256xf32>,
    return
  }
  func.func @transform_0(%arg0: i32) -> (i32, i32) {
    %c0_i32 = arith.constant 0 : i32
    %c0_i32_0 = arith.constant 0 : i32
    return %arg0, %c0_i32 : i32, i32
  }
  func.func @transform_1(%arg0: i32) -> (i32, i32) {
    %c0_i32 = arith.constant 0 : i32
    %c0_i32_0 = arith.constant 0 : i32
    return %arg0, %c0_i32 : i32, i32
  }
  func.func @transform_2(%arg0: i32) -> (i32, i32) {
    %c0_i32 = arith.constant 0 : i32
    %c0_i32_0 = arith.constant 0 : i32
    return %arg0, %c0_i32 : i32, i32
  }
  func.func @transform_3(%arg0: i32) -> (i32, i32) {
    %c0_i32 = arith.constant 0 : i32
    %c0_i32_0 = arith.constant 0 : i32
    return %arg0, %c0_i32 : i32, i32
  }
  func.func @transform_4(%arg0: i32) -> (i32, i32) {
    %c0_i32 = arith.constant 0 : i32
    %c0_i32_0 = arith.constant 0 : i32
    return %arg0, %c0_i32 : i32, i32
  }
  func.func @transform_5(%arg0: i32) -> (i32, i32) {
    %c0_i32 = arith.constant 0 : i32
    %c0_i32_0 = arith.constant 0 : i32
    return %arg0, %c0_i32 : i32, i32
  }
  func.func @transform_6(%arg0: i32) -> (i32, i32) {
    %c0_i32 = arith.constant 0 : i32
    %c0_i32_0 = arith.constant 0 : i32
    %c0_i32_1 = arith.constant 0 : i32
    return %c0_i32, %c0_i32_0 : i32, i32
  }
  func.func @transform_7(%arg0: i32) -> (i32, i32) {
    %c0_i32 = arith.constant 0 : i32
    %c0_i32_0 = arith.constant 0 : i32
    %c0_i32_1 = arith.constant 0 : i32
    return %c0_i32, %c0_i32_0 : i32, i32
  }
  func.func @transform_8(%arg0: i32) -> (i32, i32) {
    %c0_i32 = arith.constant 0 : i32
    %c0_i32_0 = arith.constant 0 : i32
    %c0_i32_1 = arith.constant 0 : i32
    return %c0_i32, %c0_i32_0 : i32, i32
  }
  func.func @transform_9(%arg0: i32) -> (i32, i32) {
    %c0_i32 = arith.constant 0 : i32
    %c0_i32_0 = arith.constant 0 : i32
    return %arg0, %c0_i32 : i32, i32
  }
}

</mosaic_0001>

<sc_bundles>
// kernel: kernel.5.cloned.1.call-start
scs
__scs_entry_jumppad:
0x0: {  	(pc) =	sbr.rel $0x88, $3  }
0x1: {  	(tag) =	ssettag $0x0;
	lr =	simm.s32 $0x1  }
0x2: {  	[smem:$0x3F9B] =	sst lr;
	_ =	strace $0xD0000000  }
0x3: {  	_ = 	snop  }
0x4: {  	_ = 	snop  }
0x5: {  	_ = 	snop  }
0x6: {  	_ = 	snop  }
0x7: {  	_ = 	snop  }
__scs_overlays_trampoline_lowered:
0x8: {  	[smem:$0x3FAA] =	sst s0  }
0x9: {  	[smem:$0x3FAB] =	sst s1  }
0xa: {  	[smem:$0x3FAC] =	sst s2  }
0xb: {  	[smem:$0x3FAD] =	sst s3  }
0xc: {  	[smem:$0x3FAE] =	sst s4  }
0xd: {  	[smem:$0x3FAF] =	sst s5  }
0xe: {  	[smem:$0x3FB0] =	sst s6  }
0xf: {  	[smem:$0x3FB1] =	sst s7  }
0x10: {  	[smem:$0x3FB2] =	sst s8  }
0x11: {  	[smem:$0x3FB3] =	sst s9;
	s0 =	simm.s32 @!p0 $0x0  }
0x12: {  	s1 =	sld [smem:$0x3F99];
	s0 =	simm.s32 @p0 $0x1  }
0x13: {  	[smem:$0x3FB4] =	sst s0;
	s0 =	simm.s32 @!p1 $0x0  }
0x14: {  	s2 =	sld [smem:$0x3F98];
	s0 =	simm.s32 @p1 $0x1  }
0x15: {  	[smem:$0x3FB5] =	sst s0;
	s0 =	simm.s32 @!p2 $0x0  }
0x16: {  	s3 =	sld [smem:$0x3FDB];
	s0 =	simm.s32 @p2 $0x1  }
0x17: {  	s4 =	simm.s32 $0x1BF5;
	[smem:$0x3FB7] =	sst s0  }
0x18: {  	s0 =	sld [smem:$0x3F9A];
	_ =	swait.ge [sflag:s4], $0x0  }
0x19: {  	s7 =	sld [smem:$0x3F9B]  }
0x1a: {  	s8 =	sadd.s32 $0xFFFFE003, lr  }
0x1b: {  	s9 =	sadd.s32 $0xFFFFFEF7, lr;
	s5 =	simm.s32 $0xFFFFFFFF;
	p2 =	slt.u32 s8, $0xFFFFF086  }
0x1c: {  	p1 =	slt.u32 s9, $0xF7A;
	s5 =	simm.s32 @!p2 $0x0  }
0x1d: {  	s5 =	simm.s32 @p1 $0x1;
	p0 =	seq.s32 s7, s2  }
0x1e: {  	s7 =	smul.u32 @!p0 $0xF7A, s2;
	p2 =	seq.s32 @!p0 s5, $0x0  }
0x1f: {  	s9 =	smul.u32 $0xF7A, s1;
	s8 =	simm.s32 @!p0 $0x1BF5;
	p2 =	por !p2, p0  }
0x20: {  	[sflag:s8] =	ssyncset.s32 @!p0 $0xFFFFF086;
	s6 =	sadd.s32 @!p0 s3, s7;
	s7 =	simm.s32 @!p0 $0x108  }
0x21: {  	s3 =	sadd.s32 s3, s9;
	s6 =	sadd.s32 @!p0 $0x88, s6;
	s7 =	simm.s32 @p2 $0x1082  }
0x22: {  	[simem:s7], [sflag:s8] =	dma.local @!p0 [hbm:s6], $0xF7A  }
0x23: {  	s9 =	sor.u32 $0xD0000000, s2;
	s6 =	simm.s32 $0x108;
	_ =	swait.ge @!p0 [sflag:s8], $0x0  }
0x24: {  	s3 =	sadd.s32 $0x88, s3;
	s6 =	simm.s32 @!p1 $0x1082;
	[sflag:s4] =	ssyncset.s32 $0xFFFFF086  }
0x25: {  	[simem:s6], [sflag:s4] =	dma.local [hbm:s3], $0xF7A  }
0x26: {  	[smem:$0x3F9B] =	sst s1;
	(tag) =	ssettag s2;
	_ =	strace s9  }
0x27: {  	s1 =	sld [smem:$0x3FAB]  }
0x28: {  	s2 =	sld [smem:$0x3FAC]  }
0x29: {  	s4 =	sld [smem:$0x3FAE]  }
0x2a: {  	p0 =	seq.s32 s5, $0x0;
	s5 =	sld [smem:$0x3FAF]  }
0x2b: {  	s6 =	sld [smem:$0x3FB0]  }
0x2c: {  	s7 =	sld [smem:$0x3FB1]  }
0x2d: {  	s3 =	simm.s32 $0x108;
	s8 =	sld [smem:$0x3FB2]  }
0x2e: {  	s3 =	simm.s32 @!p0 $0x1082;
	s9 =	sld [smem:$0x3FB3]  }
0x2f: {  	lr =	sadd.s32 s0, s3;
	s0 =	sld [smem:$0x3FAA]  }
0x30: {  	s3 =	sld [smem:$0x3FAD]  }
0x31: {  	[smem:$0x3FB6] =	sst s10  }
0x32: {  	s10 =	sld [smem:$0x3FB4];
	_ =	sdelay $0x3  }
0x33: {  	p0 =	seq.s32 s10, $0x1;
	s10 =	sld [smem:$0x3FB6];
	_ =	sdelay $0x3  }
0x34: {  	[smem:$0x3FB6] =	sst s10  }
0x35: {  	s10 =	sld [smem:$0x3FB5];
	_ =	sdelay $0x3  }
0x36: {  	p1 =	seq.s32 s10, $0x1;
	s10 =	sld [smem:$0x3FB6];
	_ =	sdelay $0x3  }
0x37: {  	[smem:$0x3FB6] =	sst s10  }
0x38: {  	s10 =	sld [smem:$0x3FB7]  }
0x39: {  	_ = 	snop;
	(pc) =	sbr.ind lr, $3  }
0x3a: {  	_ = 	snop  }
0x3b: {  	_ = 	snop  }
0x3c: {  	p2 =	seq.s32 s10, $0x1;
	s10 =	sld [smem:$0x3FB6]  }
0x3d: {  	_ =	shalt  }
0x3e: {  	_ =	shalt  }
0x3f: {  	_ =	shalt  }
0x40: {  	_ =	shalt  }
0x41: {  	_ =	shalt  }
0x42: {  	_ =	shalt  }
0x43: {  	_ =	shalt  }
0x44: {  	_ =	shalt  }
0x45: {  	_ =	shalt  }
0x46: {  	_ =	shalt  }
0x47: {  	_ =	shalt  }
0x48: {  	_ =	shalt  }
0x49: {  	_ =	shalt  }
0x4a: {  	_ =	shalt  }
0x4b: {  	_ =	shalt  }
0x4c: {  	_ =	shalt  }
0x4d: {  	_ =	shalt  }
0x4e: {  	_ =	shalt  }
0x4f: {  	_ =	shalt  }
0x50: {  	_ =	shalt  }
0x51: {  	_ =	shalt  }
0x52: {  	_ =	shalt  }
0x53: {  	_ =	shalt  }
0x54: {  	_ =	shalt  }
0x55: {  	_ =	shalt  }
0x56: {  	_ =	shalt  }
0x57: {  	_ =	shalt  }
0x58: {  	_ =	shalt  }
0x59: {  	_ =	shalt  }
0x5a: {  	_ =	shalt  }
0x5b: {  	_ =	shalt  }
0x5c: {  	_ =	shalt  }
0x5d: {  	_ =	shalt  }
0x5e: {  	_ =	shalt  }
0x5f: {  	_ =	shalt  }
0x60: {  	_ =	shalt  }
0x61: {  	_ =	shalt  }
0x62: {  	_ =	shalt  }
0x63: {  	_ =	shalt  }
0x64: {  	_ =	shalt  }
0x65: {  	_ =	shalt  }
0x66: {  	_ =	shalt  }
0x67: {  	_ =	shalt  }
0x68: {  	_ =	shalt  }
0x69: {  	_ =	shalt  }
0x6a: {  	_ =	shalt  }
0x6b: {  	_ =	shalt  }
0x6c: {  	_ =	shalt  }
0x6d: {  	_ =	shalt  }
0x6e: {  	_ =	shalt  }
0x6f: {  	_ =	shalt  }
0x70: {  	_ =	shalt  }
0x71: {  	_ =	shalt  }
0x72: {  	_ =	shalt  }
0x73: {  	_ =	shalt  }
0x74: {  	_ =	shalt  }
0x75: {  	_ =	shalt  }
0x76: {  	_ =	shalt  }
0x77: {  	_ =	shalt  }
0x78: {  	_ =	shalt  }
0x79: {  	_ =	shalt  }
0x7a: {  	_ =	shalt  }
0x7b: {  	_ =	shalt  }
0x7c: {  	_ =	shalt  }
0x7d: {  	_ =	shalt  }
0x7e: {  	_ =	shalt  }
0x7f: {  	_ =	shalt  }
0x80: {  	_ =	shalt  }
0x81: {  	_ =	shalt  }
0x82: {  	_ =	shalt  }
0x83: {  	_ =	shalt  }
0x84: {  	_ =	shalt  }
0x85: {  	_ =	shalt  }
0x86: {  	_ =	shalt  }
0x87: {  	_ =	shalt  }
.Lfunc_end0:
.L_simem_size_0:
called_computation_lowered:
.L_overlay_start_0:
0x88: {  	s2 =	sld [smem:$0x3FD9]  }
0x89: {  	s3 =	sld [smem:$0x3FFE];
	_ =	sdelay $0x1  }
0x8a: {  	s1 =	srdreg.scid  }
0x8b: {  	s0 =	sand.u32 $0x1, s1  }
0x8c: {  	s17 =	sshll.u32 s0, $0xA;
	s2 =	sadd.s32 s3, s2  }
0x8d: {  	s2 =	sadd.s32 s2, s17  }
0x8e: {  	[smem:$0x3FC2] =	sst s2  }
0x8f: {  	_ = 	snop  }
0x90: {  	s2 =	sld [smem:$0x3FD0];
	(tm) =	ssettm $0x1  }
0x91: {  	s18 =	sld [smem:$0x3FFB];
	_ =	sdelay $0x3  }
0x92: {  	_ =	strace s18  }
0x93: {  	s3 =	sld [smem:$0x3FFC];
	_ =	sdelay $0x3  }
0x94: {  	_ =	strace s3  }
0x95: {  	s3 =	sld [smem:$0x3FFD];
	_ =	sdelay $0x3  }
0x96: {  	_ =	strace s3  }
0x97: {  	_ =	strace $0x8FFFFFFF  }
0x98: {  	s19 =	sld [smem:$0x3FDB];
	_ =	sdelay $0x1  }
0x99: {  	s4 =	simm.s32 $_scs_section_size  }
0x9a: {  	s5 =	simm.s32 $_size__tile_overlayer_lowered;
	s6 =	simm.s32 $_tile_overlayer_lowered  }
0x9b: {  	s22 =	simm.s32 $0x1BFF;
	s21 =	sshll.u32 s6, $0x1;
	s3 =	sadd.s32 s4, s19  }
0x9c: {  	s7 =	simm.s32 $0x0;
	s20 =	sshll.u32 s5, $0x1;
	s5 =	sadd.s32 s21, s3  }
0x9d: {  	[timem:s7], [sflag:s22] =	dma.local [hbm:s5], s20  }
0x9e: {  	_ =	swait.ge [sflag:s22], s20  }
0x9f: {  	s4 =	ssub.s32 $0x0, s20;
	[sflag:s22] =	ssyncset.done $0x0  }
0xa0: {  	[sflag:s22] =	ssyncadd.s32 s4;
	_ =	sdelay $0x1  }
0xa1: {  	s23 =	simm.s32 $0x1B8B  }
0xa2: {  	_ =	swait.ge [sflag:s23], $0x1  }
0xa3: {  	[sflag:s23] =	ssyncset.done $0x0  }
0xa4: {  	s25 =	simm.s32 $0x1B8E;
	s24 =	sld [smem:$0x3FFE];
	[sflag:s23] =	ssyncadd.s32 $0xFFFFFFFF  }
0xa5: {  	s26 =	simm.s32 $execute0_lowered;
	[smem:$0x3FD2] =	sst s25  }
0xa6: {  	s5 =	sshll.u32 s26, $0x1;
	_ =	strace $0x80000046;
	[dreg:$0x1] =	wrdreg $0xFFFFFFFF  }
0xa7: {  	s28 =	simm.s32 $_size_execute0_lowered;
	s3 =	sadd.s32 s3, s5;
	[dreg:$0x0] =	wrdreg $0x0  }
0xa8: {  	s5 =	sshll.u32 s28, $0x1;
	[dreg:$0x2] =	wrdreg s3  }
0xa9: {  	[dreg:$0x3] =	wrdreg s5  }
0xaa: {  	[dreg:$0x4] =	wrdreg $0xC0  }
0xab: {  	_ =	task [dreg:s7], $0x5FFFF  }
0xac: {  	[dreg:$0x1] =	wrdreg $0xFFFFFFFF  }
0xad: {  	[dreg:$0x0] =	wrdreg $0x60  }
0xae: {  	[dreg:$0x2] =	wrdreg s24  }
0xaf: {  	[dreg:$0x3] =	wrdreg s2  }
0xb0: {  	[dreg:$0x4] =	wrdreg $0xD4000  }
0xb1: {  	[dreg:$0x5] =	wrdreg $0x172000  }
0xb2: {  	[dreg:$0x6] =	wrdreg $0x9  }
0xb3: {  	_ =	task.clear_ibuf [dreg:s7], $0x7FFFF;
	_ =	strace $0x90000046  }
0xb4: {  	s29 =	simm.s32 $0x9;
	_ =	strace $0x80000048  }
0xb5: {  	_ =	swait.ge [sflag:s29], $0x1  }
0xb6: {  	[sflag:s29] =	ssyncadd.s32 $0xFFFFFFFF  }
0xb7: {  	_ =	strace $0x90000048  }
0xb8: {  	_ =	sfence  }
0xb9: {  	s30 =	sld [smem:$0x0];
	_ =	sdelay $0x2  }
0xba: {  	s31 =	sshll.u32 s1, $0xD;
	s1 =	sshrl.u32 s1, $0x2  }
0xbb: {  	s3 =	sand.u32 $0x4000, s31;
	s1 =	sadd.s32 s1, s30  }
0xbc: {  	s0 =	sor.u32 s3, s0;
	s1 =	sshll.u32 s1, $0x11  }
0xbd: {  	s0 =	sor.u32 s1, s0  }
0xbe: {  	s0 =	sadd.s32 $0x8F2B, s0  }
0xbf: {  	[sflag:s0] =	ssyncadd.remote.s32 $0x1  }
0xc0: {  	_ =	sfence.sel $0xFFFF  }
0xc1: {  	[dreg:$0x0] =	wrdreg $0xFFFFFFFF;
	(pc) =	sbr.abs _section_cstart, $3  }
0xc2: {  	[dreg:$0x1] =	wrdreg $0xFFFFFFFF  }
0xc3: {  	_ =	task.clear_ibuf [dreg:s7], $0x2FFFF;
	_ =	strace $0x9FFFFFFF  }
0xc4: {  	(tm) =	ssettm $0x7FFFFFFF  }
0xc5: {  	_ =	shalt  }
tec
execute0_lowered:
.L_overlay_start_1:
0x0: {  	(tag) =	ssettag $0x1  }
0x1: {  	s0 =	rddreg [dreg:$0x0]  }
0x2: {  	s2 =	rddreg [dreg:$0x2]  }
0x3: {  	s4 =	rddreg [dreg:$0x3];
	s1 =	simm.s32 $0x0  }
0x4: {  	s10 =	stileid.u32;
	s3 =	srdreg.scid;
	s12 =	simm.s32 $0x12  }
0x5: {  	s29 =	simm.s32 $0x5000;
	s31 =	simm.s32 $0x6000;
	s13 =	simm.s32 $0xA000  }
0x6: {  	s14 =	simm.s32 $0x9;
	[smem:$0x7FF] =	sst s1;
	s15 =	smul.u32 $0x500, s10  }
0x7: {  	s6 =	sadd.s32 $0x3D400, s0;
	s7 =	sadd.s32 $0x29A00, s0;
	s5 =	sadd.s32 $0x1200, s0  }
0x8: {  	s16 =	sadd.s32 $0x5B000, s0;
	_ =	strace $0x80000047;
	[dreg:$0x5] =	wrdreg s5  }
0x9: {  	s3 =	sand.u32 $0x1, s3;
	s17 =	sadd.s32 $0x5AE00, s0;
	[dreg:$0x6] =	wrdreg s16  }
0xa: {  	s8 =	sadd.s32 $0x5B600, s0;
	s9 =	smul.u32 $0x13C00, s10;
	[dreg:$0x7] =	wrdreg s17  }
0xb: {  	s11 =	sadd.s32 $0x6F200, s0;
	s23 =	smul.u32 $0x2780, s10;
	[dreg:$0x8] =	wrdreg s8  }
0xc: {  	s30 =	sshll.u32 s10, $0x6;
	s18 =	ssub.s32 $0x2, s3;
	[dreg:$0x9] =	wrdreg s11  }
0xd: {  	p0 =	seq.s32 s3, $0x1;
	s3 =	simm.s32 $0x7000;
	s8 =	simm.s32 $0xB000  }
0xe: {  	s16 =	simm.s32 $0xB;
	s17 =	simm.s32 $0xC;
	s5 =	simm.s32 $0x10  }
0xf: {  	s1 =	sadd.s32 s15, s0;
	s19 =	sshrl.u32 s18, $0x1;
	s0 =	sadd.s32 $0x74200, s0  }
0x10: {  	s22 =	sshrl.u32 s9, $0x1;
	s25 =	sadd.s32 s23, s4;
	s26 =	sshrl.u32 s9, $0x4  }
0x11: {  	s28 =	sshrl.u32 s23, $0x3;
	s23 =	simm.s32 $0x9000;
	[dreg:$0xa] =	wrdreg s0  }
0x12: {  	s9 =	simm.s32 $0xC000;
	s15 =	simm.s32 $0xA;
	[dreg:$0xe] =	wrdreg s25  }
0x13: {  	s20 =	ssub.s32 s18, s19;
	s21 =	sadd.s32 $0x55E00, s1;
	[dreg:$0xf] =	wrdreg s26  }
0x14: {  	s1 =	sadd.s32 $0x50E00, s1;
	s24 =	sadd.s32 s22, s2;
	[dreg:$0x10] =	wrdreg s28  }
.Ltmp0:
0x15: {  	s26 =	sor.u32 $0x1C12, s30;
	[dreg:$0xb] =	wrdreg s21;
	(pc) =	sbr.rel .LBB2_1-.Ltmp0, $4  }
0x16: {  	s25 =	simm.s32 $0x40;
	s18 =	simm.s32 $0xD;
	[dreg:$0xc] =	wrdreg s1  }
0x17: {  	s19 =	simm.s32 $0xE;
	[dreg:$0xd] =	wrdreg s24;
	s0 =	smax.u32 s20, $0x1  }
0x18: {  	s21 =	simm.s32 $0x8000;
	s20 =	simm.s32 $0xF;
	[dreg:$0x12] =	wrdreg s26  }
0x19: {  	s24 =	simm.s32 $0x11;
	s1 =	simm.s32 $0x0;
	[dreg:$0x11] =	wrdreg s0  }
.LBB2_13:
0x1a: {  	s26 =	rddreg [dreg:$0x8]  }
0x1b: {  	s22 =	rddreg [dreg:$0xa];
	s23 =	simm.s32 $0x9000;
	s13 =	simm.s32 $0xA000  }
0x1c: {  	s8 =	simm.s32 $0xB000;
	s9 =	simm.s32 $0xC000;
	s1 =	rddreg [dreg:$0x13]  }
.LBB2_14:
0x1d: {  	s0 =	rddreg [dreg:$0xf];
	[bflag:$0x0] =	sbarrier.arrive $0xFFFF  }
0x1e: {  	s0 =	sadd.s32 s26, s0;
	s26 =	rddreg [dreg:$0x12]  }
0x1f: {  	s12 =	simm.s32 $0x12;
	s10 =	rddreg [dreg:$0x14]  }
0x20: {  	[hbm:s0], [sflag:s26] =	dma.local [spmem:s10], $0x13C0  }
0x21: {  	_ =	swait.ge [sflag:s12], $0x13C0  }
0x22: {  	[sflag:s12] =	ssyncset.done $0x0;
	s11 =	rddreg [dreg:$0x10]  }
0x23: {  	s28 =	rddreg [dreg:$0x15];
	s0 =	sadd.s32 s22, s11;
	[sflag:s12] =	ssyncadd.s32 $0xFFFFEC40  }
0x24: {  	[hbm:s0], [sflag:s26] =	dma.local [spmem:s28], $0x4F0  }
0x25: {  	_ =	swait.ge [sflag:s12], $0x4F0  }
0x26: {  	s1 =	sadd.s32 $0x1, s1;
	s30 =	rddreg [dreg:$0x11]  }
0x27: {  	p1 =	sne.s32 s1, s30  }
.Ltmp1:
0x28: {  	_ = 	snop;
	(pc) =	sbr.rel @!p1 .LBB2_15-.Ltmp1, $3  }
0x29: {  	_ =	sdelay $0x1  }
0x2a: {  	[sflag:s12] =	ssyncset.done $0x0  }
0x2b: {  	[sflag:s12] =	ssyncadd.s32 $0xFFFFFB10  }
.LBB2_1:
0x2c: {  	[dreg:$0x13] =	wrdreg s1  }
0x2d: {  	s0 =	simm.s32 $0x0;
	s10 =	rddreg [dreg:$0x7];
	s11 =	simm.s32 $0xD000  }
0x2e: {  	[tilespmem:s11], [sflag:$0x12] =	stream.linear.gather [hbm4b:s10+s0], $0x400, $0x38;
	[tilespmem:$0x19980] =	vst v63  }
0x2f: {  	_ =	swait.ge [sflag:s12], $0x400  }
0x30: {  	[sflag:s12] =	ssyncset.done $0x0  }
0x31: {  	s22 =	rddreg [dreg:$0xb];
	[sflag:s12] =	ssyncadd.s32 $0xFFFFFC00  }
0x32: {  	[tilespmem:s0], [sflag:$0x12] =	stream.linear.gather [hbm4b:s22+s0], $0x2800, $0x38;
	[tilespmem:$0x19980] =	vst v63  }
0x33: {  	_ =	swait.ge [sflag:s12], $0x2800  }
0x34: {  	[sflag:s12] =	ssyncset.done $0x0  }
0x35: {  	s30 =	simm.s32 $0x2800;
	s28 =	rddreg [dreg:$0xc];
	[sflag:s12] =	ssyncadd.s32 $0xFFFFD800  }
0x36: {  	[tilespmem:s30], [sflag:$0x12] =	stream.linear.gather [hbm4b:s28+s0], $0x2800, $0x38;
	[tilespmem:$0x19980] =	vst v63  }
0x37: {  	_ =	swait.ge [sflag:s12], $0x2800  }
0x38: {  	s1 =	rddreg [dreg:$0xd]  }
0x39: {  	[sflag:s12] =	ssyncset.done $0x0;
	s11 =	rddreg [dreg:$0x5];
	s10 =	sshrl.u32 s1, $0x3  }
0x3a: {  	[sflag:s12] =	ssyncadd.s32 $0xFFFFD800;
	[dreg:$0x14] =	wrdreg s10  }
0x3b: {  	[spmem:s10], [sflag:s26] =	dma.local [hbm:s11], $0x13C0  }
0x3c: {  	_ =	swait.ge [sflag:s12], $0x13C0  }
0x3d: {  	s22 =	rddreg [dreg:$0xe]  }
0x3e: {  	[sflag:s12] =	ssyncset.done $0x0;
	s30 =	rddreg [dreg:$0x6];
	s28 =	sshrl.u32 s22, $0x3  }
0x3f: {  	[sflag:s12] =	ssyncadd.s32 $0xFFFFEC40;
	[dreg:$0x15] =	wrdreg s28  }
0x40: {  	[spmem:s28], [sflag:s26] =	dma.local [hbm:s30], $0x4F0  }
.Ltmp2:
0x41: {  	_ =	swait.ge [sflag:s12], $0x4F0;
	(pc) =	sbr.rel @!p0 .LBB2_2-.Ltmp2, $4  }
0x42: {  	[sflag:s12] =	ssyncset.done $0x0  }
0x43: {  	[sflag:s12] =	ssyncadd.s32 $0xFFFFFB10  }
0x44: {  	[bflag:$0x0] =	sbarrier.arrive $0xFFFF  }
0x45: {  	s22 =	simm.s32 $0x0  }
0x46: {  	[tilespmem:s29], [sflag:$0x1] =	stream.indirect.gather [hbm4b:s7+s25], $0x40, s22, s25, $0xb8;
	[tilespmem:$0x19980] =	vst v63  }
0x47: {  	_ = 	snop  }
0x48: {  	[tilespmem:s31], [sflag:$0x2] =	stream.indirect.gather [hbm4b:s7+s25], $0x40, s25, s25, $0xb8;
	[tilespmem:$0x19980] =	vst v63  }
0x49: {  	s0 =	simm.s32 $0x80  }
0x4a: {  	[tilespmem:s3], [sflag:$0x3] =	stream.indirect.gather [hbm4b:s7+s25], $0x40, s0, s25, $0xb8;
	[tilespmem:$0x19980] =	vst v63  }
0x4b: {  	s11 =	simm.s32 $0xC0  }
0x4c: {  	[tilespmem:s21], [sflag:$0x4] =	stream.indirect.gather [hbm4b:s7+s25], $0x40, s11, s25, $0xb8;
	[tilespmem:$0x19980] =	vst v63  }
0x4d: {  	s12 =	simm.s32 $0x100  }
0x4e: {  	[tilespmem:s23], [sflag:$0x5] =	stream.indirect.gather [hbm4b:s7+s25], $0x40, s12, s25, $0xb8;
	[tilespmem:$0x19980] =	vst v63  }
0x4f: {  	s26 =	simm.s32 $0x140  }
0x50: {  	[tilespmem:s13], [sflag:$0x6] =	stream.indirect.gather [hbm4b:s7+s25], $0x40, s26, s25, $0xb8;
	[tilespmem:$0x19980] =	vst v63  }
.Ltmp3:
0x51: {  	_ = 	snop;
	(pc) =	sbr.rel .LBB2_8-.Ltmp3, $4  }
0x52: {  	s28 =	simm.s32 $0x180  }
0x53: {  	[tilespmem:s8], [sflag:$0x7] =	stream.indirect.gather [hbm4b:s7+s25], $0x40, s28, s25, $0xb8;
	[tilespmem:$0x19980] =	vst v63  }
0x54: {  	s30 =	simm.s32 $0x1C0;
	s26 =	simm.s32 $0x0  }
0x55: {  	[tilespmem:s9], [sflag:$0x8] =	stream.indirect.gather [hbm4b:s7+s25], $0x40, s30, s25, $0xb8;
	[tilespmem:$0x19980] =	vst v63  }
.LBB2_9:
0x56: {  	_ =	swait.ge [sflag:s15], $0x1000  }
0x57: {  	[sflag:s15] =	ssyncset.done $0x0  }
0x58: {  	[sflag:s15] =	ssyncadd.s32 $0xFFFFF000  }
0x59: {  	_ =	swait.ge [sflag:s16], $0x1000  }
0x5a: {  	[sflag:s16] =	ssyncset.done $0x0  }
0x5b: {  	[sflag:s16] =	ssyncadd.s32 $0xFFFFF000  }
0x5c: {  	_ =	swait.ge [sflag:s17], $0x1000  }
0x5d: {  	[sflag:s17] =	ssyncset.done $0x0  }
0x5e: {  	[sflag:s17] =	ssyncadd.s32 $0xFFFFF000  }
0x5f: {  	_ =	swait.ge [sflag:s18], $0x1000  }
0x60: {  	[sflag:s18] =	ssyncset.done $0x0  }
0x61: {  	[sflag:s18] =	ssyncadd.s32 $0xFFFFF000  }
0x62: {  	_ =	swait.ge [sflag:s19], $0x1000  }
0x63: {  	[sflag:s19] =	ssyncset.done $0x0  }
0x64: {  	[sflag:s19] =	ssyncadd.s32 $0xFFFFF000  }
0x65: {  	_ =	swait.ge [sflag:s20], $0x1000  }
0x66: {  	[sflag:s20] =	ssyncset.done $0x0  }
0x67: {  	[sflag:s20] =	ssyncadd.s32 $0xFFFFF000  }
0x68: {  	_ =	swait.ge [sflag:s5], $0x1000  }
0x69: {  	s29 =	simm.s32 $0x5000;
	s31 =	simm.s32 $0x6000;
	[sflag:s5] =	ssyncset.done $0x0  }
0x6a: {  	s3 =	simm.s32 $0x7000;
	s21 =	simm.s32 $0x8000;
	[sflag:s5] =	ssyncadd.s32 $0xFFFFF000  }
.LBB2_11:
0x6b: {  	_ =	swait.ge [sflag:s24], $0x400  }
0x6c: {  	[sflag:s24] =	ssyncset.done $0x0  }
0x6d: {  	[sflag:s24] =	ssyncadd.s32 $0xFFFFFC00  }
0x6e: {  	_ =	swait.ge [sflag:s24], $0x400  }
0x6f: {  	[sflag:s24] =	ssyncset.done $0x0  }
0x70: {  	[sflag:s24] =	ssyncadd.s32 $0xFFFFFC00  }
0x71: {  	_ =	swait.ge [sflag:s24], $0x400  }
0x72: {  	[sflag:s24] =	ssyncset.done $0x0  }
0x73: {  	[sflag:s24] =	ssyncadd.s32 $0xFFFFFC00  }
0x74: {  	_ =	swait.ge [sflag:s24], $0x400  }
0x75: {  	[sflag:s24] =	ssyncset.done $0x0  }
0x76: {  	[sflag:s24] =	ssyncadd.s32 $0xFFFFFC00  }
0x77: {  	_ =	swait.ge [sflag:s24], $0x400  }
0x78: {  	[sflag:s24] =	ssyncset.done $0x0  }
0x79: {  	[sflag:s24] =	ssyncadd.s32 $0xFFFFFC00  }
0x7a: {  	_ =	swait.ge [sflag:s24], $0x400  }
0x7b: {  	[sflag:s24] =	ssyncset.done $0x0  }
0x7c: {  	[sflag:s24] =	ssyncadd.s32 $0xFFFFFC00  }
0x7d: {  	_ =	swait.ge [sflag:s24], $0x400  }
0x7e: {  	[sflag:s24] =	ssyncset.done $0x0  }
0x7f: {  	[sflag:s24] =	ssyncadd.s32 $0xFFFFFC00  }
0x80: {  	_ =	swait.ge [sflag:s24], $0x400  }
0x81: {  	[sflag:s24] =	ssyncset.done $0x0  }
0x82: {  	[sflag:s24] =	ssyncadd.s32 $0xFFFFFC00  }
.LBB2_12:
0x83: {  	s22 =	sadd.s32 $0x800, s22  }
0x84: {  	p1 =	sne.s32 s22, $0xA000  }
.Ltmp4:
0x85: {  	_ = 	snop;
	(pc) =	sbr.rel @!p1 .LBB2_13-.Ltmp4, $2  }
0x86: {  	_ =	sdelay $0x2  }
0x87: {  	s26 =	sadd.s32 $0x1, s26  }
.LBB2_8:
0x88: {  	s0 =	simm.s32 $0x1  }
0x89: {  	_ =	swait.ge [sflag:s0], $0x1000  }
0x8a: {  	s28 =	sshra.s32 s22, $0x2;
	[sflag:s0] =	ssyncset.done $0x0  }
0x8b: {  	s1 =	simm.s32 $0x2;
	[sflag:s0] =	ssyncadd.s32 $0xFFFFF000;
	s0 =	sadd.s32 $0x2800, s28  }
0x8c: {  	[spmem:s2] =	stream.indirect.scatter.add.bf16 [tilespmem:s29], [sflag:$0x9], $0x40, s0, s25, $0xb8;
	[tilespmem:$0x19980] =	vst v63  }
0x8d: {  	_ =	swait.ge [sflag:s1], $0x1000  }
0x8e: {  	[sflag:s1] =	ssyncset.done $0x0  }
0x8f: {  	s8 =	simm.s32 $0x3;
	[sflag:s1] =	ssyncadd.s32 $0xFFFFF000;
	s1 =	sadd.s32 $0x2840, s28  }
0x90: {  	[spmem:s2] =	stream.indirect.scatter.add.bf16 [tilespmem:s31], [sflag:$0xA], $0x40, s1, s25, $0xb8;
	[tilespmem:$0x19980] =	vst v63  }
0x91: {  	_ =	swait.ge [sflag:s8], $0x1000  }
0x92: {  	[sflag:s8] =	ssyncset.done $0x0  }
0x93: {  	s10 =	simm.s32 $0x4;
	s11 =	sadd.s32 $0x2880, s28;
	[sflag:s8] =	ssyncadd.s32 $0xFFFFF000  }
0x94: {  	[spmem:s2] =	stream.indirect.scatter.add.bf16 [tilespmem:s3], [sflag:$0xB], $0x40, s11, s25, $0xb8;
	[tilespmem:$0x19980] =	vst v63  }
0x95: {  	_ =	swait.ge [sflag:s10], $0x1000  }
0x96: {  	[sflag:s10] =	ssyncset.done $0x0  }
0x97: {  	p1 =	slt.u32 s26, $0xA;
	s12 =	sadd.s32 $0x28C0, s28;
	[sflag:s10] =	ssyncadd.s32 $0xFFFFF000  }
0x98: {  	[spmem:s2] =	stream.indirect.scatter.add.bf16 [tilespmem:s21], [sflag:$0xC], $0x40, s12, s25, $0xb8;
	[tilespmem:$0x19980] =	vst v63  }
0x99: {  	s30 =	simm.s32 @!p1 $0xD000;
	s29 =	simm.s32 @!p1 $0x40  }
0x9a: {  	[spmem:s4] =	stream.indirect.scatter.add.f32 @!p1 [tilespmem:s30], [sflag:$0x11], $0x10, s0, s29, $0xb8;
	[tilespmem:$0x19980] =	vst v63  }
0x9b: {  	_ = 	snop  }
0x9c: {  	[spmem:s4] =	stream.indirect.scatter.add.f32 @!p1 [tilespmem:s30], [sflag:$0x11], $0x10, s1, s29, $0xb8;
	[tilespmem:$0x19980] =	vst v63  }
0x9d: {  	_ = 	snop  }
0x9e: {  	[spmem:s4] =	stream.indirect.scatter.add.f32 @!p1 [tilespmem:s30], [sflag:$0x11], $0x10, s11, s29, $0xb8;
	[tilespmem:$0x19980] =	vst v63  }
0x9f: {  	s11 =	simm.s32 $0x5  }
0xa0: {  	[spmem:s4] =	stream.indirect.scatter.add.f32 @!p1 [tilespmem:s30], [sflag:$0x11], $0x10, s12, s29, $0xb8;
	[tilespmem:$0x19980] =	vst v63  }
0xa1: {  	_ =	swait.ge [sflag:s11], $0x1000  }
0xa2: {  	s13 =	simm.s32 $0x9000;
	[sflag:s11] =	ssyncset.done $0x0  }
0xa3: {  	s0 =	sadd.s32 $0x2900, s28;
	s12 =	simm.s32 $0x6;
	[sflag:s11] =	ssyncadd.s32 $0xFFFFF000  }
0xa4: {  	[spmem:s2] =	stream.indirect.scatter.add.bf16 [tilespmem:s13], [sflag:$0xD], $0x40, s0, s25, $0xb8;
	[tilespmem:$0x19980] =	vst v63  }
0xa5: {  	_ =	swait.ge [sflag:s12], $0x1000  }
0xa6: {  	s9 =	simm.s32 $0x7;
	[sflag:s12] =	ssyncset.done $0x0  }
0xa7: {  	s8 =	simm.s32 $0xA000;
	s1 =	sadd.s32 $0x2940, s28;
	[sflag:s12] =	ssyncadd.s32 $0xFFFFF000  }
0xa8: {  	[spmem:s2] =	stream.indirect.scatter.add.bf16 [tilespmem:s8], [sflag:$0xE], $0x40, s1, s25, $0xb8;
	[tilespmem:$0x19980] =	vst v63  }
0xa9: {  	_ =	swait.ge [sflag:s9], $0x1000  }
0xaa: {  	s10 =	simm.s32 $0x8;
	[sflag:s9] =	ssyncset.done $0x0  }
0xab: {  	s11 =	sadd.s32 $0x2980, s28;
	[sflag:s9] =	ssyncadd.s32 $0xFFFFF000;
	s9 =	simm.s32 $0xB000  }
0xac: {  	[spmem:s2] =	stream.indirect.scatter.add.bf16 [tilespmem:s9], [sflag:$0xF], $0x40, s11, s25, $0xb8;
	[tilespmem:$0x19980] =	vst v63  }
0xad: {  	_ =	swait.ge [sflag:s10], $0x1000  }
0xae: {  	[sflag:s10] =	ssyncset.done $0x0  }
0xaf: {  	s12 =	sadd.s32 $0x29C0, s28;
	[sflag:s10] =	ssyncadd.s32 $0xFFFFF000;
	s10 =	simm.s32 $0xC000  }
0xb0: {  	[spmem:s2] =	stream.indirect.scatter.add.bf16 [tilespmem:s10], [sflag:$0x10], $0x40, s12, s25, $0xb8;
	[tilespmem:$0x19980] =	vst v63  }
0xb1: {  	_ = 	snop  }
0xb2: {  	[spmem:s4] =	stream.indirect.scatter.add.f32 @!p1 [tilespmem:s30], [sflag:$0x11], $0x10, s0, s29, $0xb8;
	[tilespmem:$0x19980] =	vst v63  }
0xb3: {  	_ = 	snop  }
0xb4: {  	[spmem:s4] =	stream.indirect.scatter.add.f32 @!p1 [tilespmem:s30], [sflag:$0x11], $0x10, s1, s29, $0xb8;
	[tilespmem:$0x19980] =	vst v63  }
0xb5: {  	p2 =	sne.s32 s22, $0x9800  }
0xb6: {  	[spmem:s4] =	stream.indirect.scatter.add.f32 @!p1 [tilespmem:s30], [sflag:$0x11], $0x10, s11, s29, $0xb8;
	[tilespmem:$0x19980] =	vst v63  }
.Ltmp5:
0xb7: {  	_ = 	snop;
	(pc) =	sbr.rel @!p2 .LBB2_9-.Ltmp5, $4  }
0xb8: {  	[spmem:s4] =	stream.indirect.scatter.add.f32 @!p1 [tilespmem:s30], [sflag:$0x11], $0x10, s12, s29, $0xb8;
	[tilespmem:$0x19980] =	vst v63  }
0xb9: {  	_ =	swait.ge [sflag:s14], $0x1000  }
0xba: {  	s23 =	simm.s32 $0x8000;
	s31 =	simm.s32 $0x5000;
	[sflag:s14] =	ssyncset.done $0x0  }
0xbb: {  	s3 =	simm.s32 $0x6000;
	s21 =	simm.s32 $0x7000;
	[sflag:s14] =	ssyncadd.s32 $0xFFFFF000  }
0xbc: {  	s0 =	sadd.s32 $0x200, s28  }
0xbd: {  	[tilespmem:s31], [sflag:$0x1] =	stream.indirect.gather [hbm4b:s7+s25], $0x40, s0, s25, $0xb8;
	[tilespmem:$0x19980] =	vst v63  }
0xbe: {  	_ =	swait.ge [sflag:s15], $0x1000  }
0xbf: {  	[sflag:s15] =	ssyncset.done $0x0  }
0xc0: {  	s1 =	sadd.s32 $0x240, s28;
	[sflag:s15] =	ssyncadd.s32 $0xFFFFF000  }
0xc1: {  	[tilespmem:s3], [sflag:$0x2] =	stream.indirect.gather [hbm4b:s7+s25], $0x40, s1, s25, $0xb8;
	[tilespmem:$0x19980] =	vst v63  }
0xc2: {  	_ =	swait.ge [sflag:s16], $0x1000  }
0xc3: {  	[sflag:s16] =	ssyncset.done $0x0  }
0xc4: {  	s3 =	sadd.s32 $0x280, s28;
	[sflag:s16] =	ssyncadd.s32 $0xFFFFF000  }
0xc5: {  	[tilespmem:s21], [sflag:$0x3] =	stream.indirect.gather [hbm4b:s7+s25], $0x40, s3, s25, $0xb8;
	[tilespmem:$0x19980] =	vst v63  }
0xc6: {  	_ =	swait.ge [sflag:s17], $0x1000  }
0xc7: {  	[sflag:s17] =	ssyncset.done $0x0  }
0xc8: {  	s11 =	sadd.s32 $0x2C0, s28;
	[sflag:s17] =	ssyncadd.s32 $0xFFFFF000  }
0xc9: {  	[tilespmem:s23], [sflag:$0x4] =	stream.indirect.gather [hbm4b:s7+s25], $0x40, s11, s25, $0xb8;
	[tilespmem:$0x19980] =	vst v63  }
0xca: {  	_ =	swait.ge [sflag:s18], $0x1000  }
0xcb: {  	[sflag:s18] =	ssyncset.done $0x0  }
0xcc: {  	s12 =	sadd.s32 $0x300, s28;
	[sflag:s18] =	ssyncadd.s32 $0xFFFFF000  }
0xcd: {  	[tilespmem:s13], [sflag:$0x5] =	stream.indirect.gather [hbm4b:s7+s25], $0x40, s12, s25, $0xb8;
	[tilespmem:$0x19980] =	vst v63  }
0xce: {  	_ =	swait.ge [sflag:s19], $0x1000  }
0xcf: {  	[sflag:s19] =	ssyncset.done $0x0  }
0xd0: {  	s21 =	sadd.s32 $0x340, s28;
	[sflag:s19] =	ssyncadd.s32 $0xFFFFF000  }
0xd1: {  	[tilespmem:s8], [sflag:$0x6] =	stream.indirect.gather [hbm4b:s7+s25], $0x40, s21, s25, $0xb8;
	[tilespmem:$0x19980] =	vst v63  }
0xd2: {  	_ =	swait.ge [sflag:s20], $0x1000  }
0xd3: {  	[sflag:s20] =	ssyncset.done $0x0  }
0xd4: {  	s23 =	sadd.s32 $0x380, s28;
	[sflag:s20] =	ssyncadd.s32 $0xFFFFF000  }
0xd5: {  	[tilespmem:s9], [sflag:$0x7] =	stream.indirect.gather [hbm4b:s7+s25], $0x40, s23, s25, $0xb8;
	[tilespmem:$0x19980] =	vst v63  }
.Ltmp6:
0xd6: {  	_ = 	snop;
	(pc) =	sbr.rel @p1 .LBB2_12-.Ltmp6, $4  }
.Ltmp7:
0xd7: {  	s30 =	sadd.s32 $0x3C0, s28;
	_ =	swait.ge [sflag:s5], $0x1000;
	(pc) =	sbr.rel @!p1 .LBB2_11-.Ltmp7, $4  }
0xd8: {  	s29 =	simm.s32 $0x5000;
	s31 =	simm.s32 $0x6000;
	[sflag:s5] =	ssyncset.done $0x0  }
0xd9: {  	s3 =	simm.s32 $0x7000;
	s21 =	simm.s32 $0x8000;
	[sflag:s5] =	ssyncadd.s32 $0xFFFFF000  }
0xda: {  	[tilespmem:s10], [sflag:$0x8] =	stream.indirect.gather [hbm4b:s7+s25], $0x40, s30, s25, $0xb8;
	[tilespmem:$0x19980] =	vst v63  }
0xdb: {  	_ = 	snop  }
.LBB2_2:
0xdc: {  	[tilespmem:s29], [sflag:$0x1] =	stream.indirect.gather [hbm4b:s6+s25], $0x40, s22, s25, $0xb8;
	[tilespmem:$0x19980] =	vst v63  }
0xdd: {  	_ = 	snop  }
0xde: {  	[tilespmem:s31], [sflag:$0x2] =	stream.indirect.gather [hbm4b:s6+s25], $0x40, s25, s25, $0xb8;
	[tilespmem:$0x19980] =	vst v63  }
0xdf: {  	s0 =	simm.s32 $0x80  }
0xe0: {  	[tilespmem:s3], [sflag:$0x3] =	stream.indirect.gather [hbm4b:s6+s25], $0x40, s0, s25, $0xb8;
	[tilespmem:$0x19980] =	vst v63  }
0xe1: {  	s11 =	simm.s32 $0xC0  }
0xe2: {  	[tilespmem:s21], [sflag:$0x4] =	stream.indirect.gather [hbm4b:s6+s25], $0x40, s11, s25, $0xb8;
	[tilespmem:$0x19980] =	vst v63  }
0xe3: {  	s12 =	simm.s32 $0x100  }
0xe4: {  	[tilespmem:s23], [sflag:$0x5] =	stream.indirect.gather [hbm4b:s6+s25], $0x40, s12, s25, $0xb8;
	[tilespmem:$0x19980] =	vst v63  }
0xe5: {  	s26 =	simm.s32 $0x140  }
0xe6: {  	[tilespmem:s13], [sflag:$0x6] =	stream.indirect.gather [hbm4b:s6+s25], $0x40, s26, s25, $0xb8;
	[tilespmem:$0x19980] =	vst v63  }
0xe7: {  	s28 =	simm.s32 $0x180  }
0xe8: {  	[tilespmem:s8], [sflag:$0x7] =	stream.indirect.gather [hbm4b:s6+s25], $0x40, s28, s25, $0xb8;
	[tilespmem:$0x19980] =	vst v63  }
0xe9: {  	s30 =	simm.s32 $0x1C0;
	s26 =	simm.s32 $0x0  }
0xea: {  	[tilespmem:s9], [sflag:$0x8] =	stream.indirect.gather [hbm4b:s6+s25], $0x40, s30, s25, $0xb8;
	[tilespmem:$0x19980] =	vst v63  }
.LBB2_3:
0xeb: {  	s0 =	simm.s32 $0x1  }
0xec: {  	_ =	swait.ge [sflag:s0], $0x1000  }
0xed: {  	s28 =	sshra.s32 s22, $0x2;
	[sflag:s0] =	ssyncset.done $0x0  }
0xee: {  	s23 =	simm.s32 $0x2;
	s30 =	sadd.s32 $0x2800, s28;
	[sflag:s0] =	ssyncadd.s32 $0xFFFFF000  }
0xef: {  	[spmem:s2] =	stream.indirect.scatter.add.bf16 [tilespmem:s29], [sflag:$0x9], $0x40, s30, s25, $0xb8;
	[tilespmem:$0x19980] =	vst v63  }
0xf0: {  	_ =	swait.ge [sflag:s23], $0x1000  }
0xf1: {  	[sflag:s23] =	ssyncset.done $0x0  }
0xf2: {  	s1 =	simm.s32 $0x3;
	s0 =	sadd.s32 $0x2840, s28;
	[sflag:s23] =	ssyncadd.s32 $0xFFFFF000  }
0xf3: {  	[spmem:s2] =	stream.indirect.scatter.add.bf16 [tilespmem:s31], [sflag:$0xA], $0x40, s0, s25, $0xb8;
	[tilespmem:$0x19980] =	vst v63  }
0xf4: {  	_ =	swait.ge [sflag:s1], $0x1000  }
0xf5: {  	[sflag:s1] =	ssyncset.done $0x0  }
0xf6: {  	s29 =	simm.s32 $0x4;
	[sflag:s1] =	ssyncadd.s32 $0xFFFFF000;
	s1 =	sadd.s32 $0x2880, s28  }
0xf7: {  	[spmem:s2] =	stream.indirect.scatter.add.bf16 [tilespmem:s3], [sflag:$0xB], $0x40, s1, s25, $0xb8;
	[tilespmem:$0x19980] =	vst v63  }
0xf8: {  	_ =	swait.ge [sflag:s29], $0x1000  }
0xf9: {  	[sflag:s29] =	ssyncset.done $0x0  }
0xfa: {  	p1 =	sgt.u32 s26, $0x9;
	s11 =	sadd.s32 $0x28C0, s28;
	[sflag:s29] =	ssyncadd.s32 $0xFFFFF000  }
0xfb: {  	[spmem:s2] =	stream.indirect.scatter.add.bf16 [tilespmem:s21], [sflag:$0xC], $0x40, s11, s25, $0xb8;
	[tilespmem:$0x19980] =	vst v63  }
0xfc: {  	s12 =	simm.s32 @!p1 $0x40;
	s29 =	simm.s32 @!p1 $0xD000  }
0xfd: {  	[spmem:s4] =	stream.indirect.scatter.add.f32 @!p1 [tilespmem:s29], [sflag:$0x11], $0x10, s30, s12, $0xb8;
	[tilespmem:$0x19980] =	vst v63  }
0xfe: {  	_ = 	snop  }
0xff: {  	[spmem:s4] =	stream.indirect.scatter.add.f32 @!p1 [tilespmem:s29], [sflag:$0x11], $0x10, s0, s12, $0xb8;
	[tilespmem:$0x19980] =	vst v63  }
0x100: {  	_ = 	snop  }
0x101: {  	[spmem:s4] =	stream.indirect.scatter.add.f32 @!p1 [tilespmem:s29], [sflag:$0x11], $0x10, s1, s12, $0xb8;
	[tilespmem:$0x19980] =	vst v63  }
0x102: {  	s1 =	simm.s32 $0x5  }
0x103: {  	[spmem:s4] =	stream.indirect.scatter.add.f32 @!p1 [tilespmem:s29], [sflag:$0x11], $0x10, s11, s12, $0xb8;
	[tilespmem:$0x19980] =	vst v63  }
0x104: {  	_ =	swait.ge [sflag:s1], $0x1000  }
0x105: {  	s13 =	simm.s32 $0x9000;
	[sflag:s1] =	ssyncset.done $0x0  }
0x106: {  	s0 =	sadd.s32 $0x2900, s28;
	s11 =	simm.s32 $0x6;
	[sflag:s1] =	ssyncadd.s32 $0xFFFFF000  }
0x107: {  	[spmem:s2] =	stream.indirect.scatter.add.bf16 [tilespmem:s13], [sflag:$0xD], $0x40, s0, s25, $0xb8;
	[tilespmem:$0x19980] =	vst v63  }
0x108: {  	_ =	swait.ge [sflag:s11], $0x1000  }
0x109: {  	s8 =	simm.s32 $0xA000;
	[sflag:s11] =	ssyncset.done $0x0  }
0x10a: {  	s30 =	simm.s32 $0x7;
	s1 =	sadd.s32 $0x2940, s28;
	[sflag:s11] =	ssyncadd.s32 $0xFFFFF000  }
0x10b: {  	[spmem:s2] =	stream.indirect.scatter.add.bf16 [tilespmem:s8], [sflag:$0xE], $0x40, s1, s25, $0xb8;
	[tilespmem:$0x19980] =	vst v63  }
0x10c: {  	_ =	swait.ge [sflag:s30], $0x1000  }
0x10d: {  	s9 =	simm.s32 $0xB000;
	[sflag:s30] =	ssyncset.done $0x0  }
0x10e: {  	s11 =	sadd.s32 $0x2980, s28;
	[sflag:s30] =	ssyncadd.s32 $0xFFFFF000;
	s30 =	simm.s32 $0x8  }
0x10f: {  	[spmem:s2] =	stream.indirect.scatter.add.bf16 [tilespmem:s9], [sflag:$0xF], $0x40, s11, s25, $0xb8;
	[tilespmem:$0x19980] =	vst v63  }
0x110: {  	_ =	swait.ge [sflag:s30], $0x1000  }
0x111: {  	[sflag:s30] =	ssyncset.done $0x0  }
0x112: {  	s10 =	simm.s32 $0xC000;
	[sflag:s30] =	ssyncadd.s32 $0xFFFFF000;
	s30 =	sadd.s32 $0x29C0, s28  }
0x113: {  	[spmem:s2] =	stream.indirect.scatter.add.bf16 [tilespmem:s10], [sflag:$0x10], $0x40, s30, s25, $0xb8;
	[tilespmem:$0x19980] =	vst v63  }
0x114: {  	_ = 	snop  }
0x115: {  	[spmem:s4] =	stream.indirect.scatter.add.f32 @!p1 [tilespmem:s29], [sflag:$0x11], $0x10, s0, s12, $0xb8;
	[tilespmem:$0x19980] =	vst v63  }
0x116: {  	_ = 	snop  }
0x117: {  	[spmem:s4] =	stream.indirect.scatter.add.f32 @!p1 [tilespmem:s29], [sflag:$0x11], $0x10, s1, s12, $0xb8;
	[tilespmem:$0x19980] =	vst v63  }
0x118: {  	p2 =	sne.s32 s22, $0x9800  }
0x119: {  	[spmem:s4] =	stream.indirect.scatter.add.f32 @!p1 [tilespmem:s29], [sflag:$0x11], $0x10, s11, s12, $0xb8;
	[tilespmem:$0x19980] =	vst v63  }
.Ltmp8:
0x11a: {  	_ = 	snop;
	(pc) =	sbr.rel @!p2 .LBB2_4-.Ltmp8, $4  }
0x11b: {  	[spmem:s4] =	stream.indirect.scatter.add.f32 @!p1 [tilespmem:s29], [sflag:$0x11], $0x10, s30, s12, $0xb8;
	[tilespmem:$0x19980] =	vst v63  }
0x11c: {  	_ =	swait.ge [sflag:s14], $0x1000  }
0x11d: {  	s23 =	simm.s32 $0x8000;
	s31 =	simm.s32 $0x5000;
	[sflag:s14] =	ssyncset.done $0x0  }
0x11e: {  	s3 =	simm.s32 $0x6000;
	s21 =	simm.s32 $0x7000;
	[sflag:s14] =	ssyncadd.s32 $0xFFFFF000  }
0x11f: {  	s0 =	sadd.s32 $0x200, s28  }
0x120: {  	[tilespmem:s31], [sflag:$0x1] =	stream.indirect.gather [hbm4b:s6+s25], $0x40, s0, s25, $0xb8;
	[tilespmem:$0x19980] =	vst v63  }
0x121: {  	_ =	swait.ge [sflag:s15], $0x1000  }
0x122: {  	[sflag:s15] =	ssyncset.done $0x0  }
0x123: {  	s1 =	sadd.s32 $0x240, s28;
	[sflag:s15] =	ssyncadd.s32 $0xFFFFF000  }
0x124: {  	[tilespmem:s3], [sflag:$0x2] =	stream.indirect.gather [hbm4b:s6+s25], $0x40, s1, s25, $0xb8;
	[tilespmem:$0x19980] =	vst v63  }
0x125: {  	_ =	swait.ge [sflag:s16], $0x1000  }
0x126: {  	[sflag:s16] =	ssyncset.done $0x0  }
0x127: {  	s3 =	sadd.s32 $0x280, s28;
	[sflag:s16] =	ssyncadd.s32 $0xFFFFF000  }
0x128: {  	[tilespmem:s21], [sflag:$0x3] =	stream.indirect.gather [hbm4b:s6+s25], $0x40, s3, s25, $0xb8;
	[tilespmem:$0x19980] =	vst v63  }
0x129: {  	_ =	swait.ge [sflag:s17], $0x1000  }
0x12a: {  	[sflag:s17] =	ssyncset.done $0x0  }
0x12b: {  	s11 =	sadd.s32 $0x2C0, s28;
	[sflag:s17] =	ssyncadd.s32 $0xFFFFF000  }
0x12c: {  	[tilespmem:s23], [sflag:$0x4] =	stream.indirect.gather [hbm4b:s6+s25], $0x40, s11, s25, $0xb8;
	[tilespmem:$0x19980] =	vst v63  }
0x12d: {  	_ =	swait.ge [sflag:s18], $0x1000  }
0x12e: {  	[sflag:s18] =	ssyncset.done $0x0  }
0x12f: {  	s12 =	sadd.s32 $0x300, s28;
	[sflag:s18] =	ssyncadd.s32 $0xFFFFF000  }
0x130: {  	[tilespmem:s13], [sflag:$0x5] =	stream.indirect.gather [hbm4b:s6+s25], $0x40, s12, s25, $0xb8;
	[tilespmem:$0x19980] =	vst v63  }
0x131: {  	_ =	swait.ge [sflag:s19], $0x1000  }
0x132: {  	[sflag:s19] =	ssyncset.done $0x0  }
0x133: {  	s21 =	sadd.s32 $0x340, s28;
	[sflag:s19] =	ssyncadd.s32 $0xFFFFF000  }
0x134: {  	[tilespmem:s8], [sflag:$0x6] =	stream.indirect.gather [hbm4b:s6+s25], $0x40, s21, s25, $0xb8;
	[tilespmem:$0x19980] =	vst v63  }
0x135: {  	_ =	swait.ge [sflag:s20], $0x1000  }
0x136: {  	[sflag:s20] =	ssyncset.done $0x0  }
0x137: {  	s23 =	sadd.s32 $0x380, s28;
	[sflag:s20] =	ssyncadd.s32 $0xFFFFF000  }
0x138: {  	[tilespmem:s9], [sflag:$0x7] =	stream.indirect.gather [hbm4b:s6+s25], $0x40, s23, s25, $0xb8;
	[tilespmem:$0x19980] =	vst v63  }
0x139: {  	_ =	swait.ge [sflag:s5], $0x1000  }
0x13a: {  	[sflag:s5] =	ssyncset.done $0x0  }
0x13b: {  	s30 =	sadd.s32 $0x3C0, s28;
	s0 =	simm.s32 @!p1 $0x11;
	[sflag:s5] =	ssyncadd.s32 $0xFFFFF000  }
0x13c: {  	[tilespmem:s10], [sflag:$0x8] =	stream.indirect.gather [hbm4b:s6+s25], $0x40, s30, s25, $0xb8;
	[tilespmem:$0x19980] =	vst v63  }
0x13d: {  	_ =	swait.ge @!p1 [sflag:s0], $0x400  }
0x13e: {  	[sflag:s0] =	ssyncset.done @!p1 $0x0  }
0x13f: {  	[sflag:s0] =	ssyncadd.s32 @!p1 $0xFFFFFC00  }
0x140: {  	_ =	swait.ge @!p1 [sflag:s0], $0x400  }
0x141: {  	[sflag:s0] =	ssyncset.done @!p1 $0x0  }
0x142: {  	[sflag:s0] =	ssyncadd.s32 @!p1 $0xFFFFFC00  }
0x143: {  	_ =	swait.ge @!p1 [sflag:s0], $0x400  }
0x144: {  	[sflag:s0] =	ssyncset.done @!p1 $0x0  }
0x145: {  	[sflag:s0] =	ssyncadd.s32 @!p1 $0xFFFFFC00  }
0x146: {  	_ =	swait.ge @!p1 [sflag:s0], $0x400  }
0x147: {  	[sflag:s0] =	ssyncset.done @!p1 $0x0  }
0x148: {  	[sflag:s0] =	ssyncadd.s32 @!p1 $0xFFFFFC00  }
0x149: {  	_ =	swait.ge @!p1 [sflag:s0], $0x400  }
0x14a: {  	[sflag:s0] =	ssyncset.done @!p1 $0x0  }
0x14b: {  	[sflag:s0] =	ssyncadd.s32 @!p1 $0xFFFFFC00  }
0x14c: {  	_ =	swait.ge @!p1 [sflag:s0], $0x400  }
0x14d: {  	[sflag:s0] =	ssyncset.done @!p1 $0x0  }
0x14e: {  	s22 =	sadd.s32 $0x800, s22;
	[sflag:s0] =	ssyncadd.s32 @!p1 $0xFFFFFC00  }
0x14f: {  	p2 =	seq.s32 s22, $0xA000;
	_ =	swait.ge @!p1 [sflag:s0], $0x400  }
.Ltmp9:
0x150: {  	s26 =	sadd.s32 $0x1, s26;
	[sflag:s0] =	ssyncset.done @!p1 $0x0;
	(pc) =	sbr.rel @!p2 .LBB2_3-.Ltmp9, $4  }
0x151: {  	s29 =	simm.s32 $0x5000;
	s31 =	simm.s32 $0x6000;
	[sflag:s0] =	ssyncadd.s32 @!p1 $0xFFFFFC00  }
0x152: {  	s3 =	simm.s32 $0x7000;
	s13 =	simm.s32 $0xA000;
	_ =	swait.ge @!p1 [sflag:s0], $0x400  }
0x153: {  	s21 =	simm.s32 $0x8000;
	s8 =	simm.s32 $0xB000;
	[sflag:s0] =	ssyncset.done @!p1 $0x0  }
0x154: {  	s23 =	simm.s32 $0x9000;
	s9 =	simm.s32 $0xC000;
	[sflag:s0] =	ssyncadd.s32 @!p1 $0xFFFFFC00  }
.Ltmp10:
0x155: {  	(pc) =	sbr.rel .LBB2_14-.Ltmp10, $4  }
0x156: {  	_ = 	snop  }
0x157: {  	s26 =	rddreg [dreg:$0x1]  }
0x158: {  	s22 =	rddreg [dreg:$0x9]  }
0x159: {  	s1 =	rddreg [dreg:$0x13]  }
.LBB2_4:
0x15a: {  	_ =	swait.ge [sflag:s15], $0x1000  }
0x15b: {  	[sflag:s15] =	ssyncset.done $0x0  }
0x15c: {  	[sflag:s15] =	ssyncadd.s32 $0xFFFFF000  }
0x15d: {  	_ =	swait.ge [sflag:s16], $0x1000  }
0x15e: {  	[sflag:s16] =	ssyncset.done $0x0  }
0x15f: {  	[sflag:s16] =	ssyncadd.s32 $0xFFFFF000  }
0x160: {  	_ =	swait.ge [sflag:s17], $0x1000  }
0x161: {  	[sflag:s17] =	ssyncset.done $0x0  }
0x162: {  	[sflag:s17] =	ssyncadd.s32 $0xFFFFF000  }
0x163: {  	_ =	swait.ge [sflag:s18], $0x1000  }
0x164: {  	[sflag:s18] =	ssyncset.done $0x0  }
0x165: {  	[sflag:s18] =	ssyncadd.s32 $0xFFFFF000  }
0x166: {  	_ =	swait.ge [sflag:s19], $0x1000  }
0x167: {  	[sflag:s19] =	ssyncset.done $0x0  }
0x168: {  	[sflag:s19] =	ssyncadd.s32 $0xFFFFF000  }
0x169: {  	_ =	swait.ge [sflag:s20], $0x1000  }
0x16a: {  	s29 =	simm.s32 $0x5000;
	[sflag:s20] =	ssyncset.done $0x0  }
.Ltmp11:
0x16b: {  	s31 =	simm.s32 $0x6000;
	[sflag:s20] =	ssyncadd.s32 $0xFFFFF000;
	(pc) =	sbr.rel .LBB2_14-.Ltmp11, $4  }
0x16c: {  	s3 =	simm.s32 $0x7000;
	s21 =	simm.s32 $0x8000;
	_ =	swait.ge [sflag:s5], $0x1000  }
0x16d: {  	s23 =	simm.s32 $0x9000;
	[sflag:s5] =	ssyncset.done $0x0;
	s22 =	rddreg [dreg:$0x9]  }
0x16e: {  	s13 =	simm.s32 $0xA000;
	s1 =	rddreg [dreg:$0x13];
	[sflag:s5] =	ssyncadd.s32 $0xFFFFF000  }
0x16f: {  	s8 =	simm.s32 $0xB000;
	s9 =	simm.s32 $0xC000;
	s26 =	rddreg [dreg:$0x1]  }
.LBB2_15:
0x170: {  	_ =	sfence.sel $0x180000  }
0x171: {  	[bflag:$0x0] =	sbarrier.arrive $0xFFFF  }
0x172: {  	_ =	strace $0x90000047  }
0x173: {  	s0 =	stileid.u32;
	[bflag:$0x2] =	sbarrier.arrive $0xFFFF  }
0x174: {  	p0 =	sne.s32 s0, $0x0;
	s0 =	rddreg [dreg:$0x4]  }
0x175: {  	s0 =	sadd.s32 @!p0 $0x100000, s0  }
0x176: {  	[sflag:s0] =	ssyncadd.tile.s32 @!p0 $0x1;
	_ =	shalt  }
.Lfunc_end2:
_tile_overlayer_lowered:
.L_overlay_start_2:
0x177: {  	(tag) =	ssettag $0x2  }
0x178: {  	s0 =	rddreg [dreg:$0x0];
	s2 =	stileid.u32  }
0x179: {  	s1 =	rddreg [dreg:$0x1];
	p0 =	sne.s32 s2, $0x0  }
0x17a: {  	s3 =	rddreg [dreg:$0x2];
	[bflag:$0x3] =	sbarrier.arrive $0xFFFF;
	s2 =	simm.s32 @!p0 $0x1C12  }
0x17b: {  	[timem:s3], [sflag:s2] =	dma.local @!p0 [hbm:s0], s1  }
0x17c: {  	s0 =	simm.s32 @!p0 $0x12  }
0x17d: {  	_ =	swait.ge @!p0 [sflag:s0], s1  }
0x17e: {  	s1 =	ssub.s32 @!p0 $0x0, s1;
	[sflag:s0] =	ssyncset.done @!p0 $0x0  }
0x17f: {  	[sflag:s0] =	ssyncadd.s32 @!p0 s1  }
0x180: {  	[bflag:$0x3] =	sbarrier.arrive $0xFFFF  }
0x181: {  	_ =	shalt  }

</sc_bundles>
